<compile_context>
chip_gen: v7x
topology: tpu7x:2x2x1
jax: 0.10.2.dev20260603
libtpu: 0.0.44.dev20260713+nightly
codegen_flags: <defaults>
</compile_context>

<pallas_src>
import jax
import jax.numpy as jnp
from jax.experimental import pallas as pl
from jax.experimental.pallas import tpu as pltpu

_INTERPRET = False


def _compact(xv, su, sv):
    return jnp.concatenate(
        [xv[:, (h + su) * 32 + sv:(h + su) * 32 + sv + 28] for h in range(28)],
        axis=1,
    )


def _body(x_ref, a1_ref, bw_ref, o_ref, r3_ref):
    t = pl.program_id(1)

    @pl.when(t == 0)
    def _build():
        xv = x_ref[0]
        xc = {(su, sv): _compact(xv, su, sv) for su in range(5) for sv in range(5)}
        a1 = a1_ref[...]
        for s in range(9):
            kh, kw = s // 3, s % 3
            xcat = jnp.concatenate(
                [xc[(kh + s2 // 3, kw + s2 % 3)] for s2 in range(9)], axis=0
            )
            y1 = jnp.dot(a1, xcat, preferred_element_type=jnp.float32)
            y1 = jnp.maximum(y1, 0.0).astype(jnp.bfloat16)
            r3_ref[:, s * 32:(s + 1) * 32, :] = y1.reshape(30, 32, 784)

    patch = r3_ref[pl.ds(4 * t, 6)].reshape(1728, 784)
    y2 = jnp.dot(bw_ref[...], patch, preferred_element_type=jnp.float32)
    y2 = jnp.maximum(y2, 0.0)
    o_ref[0] = y2.reshape(4, 64, 784)


@jax.jit
def kernel(x, W1, W2):
    n = x.shape[0]
    xr = x.reshape(n, 32, 1024).astype(jnp.bfloat16)

    eye30 = jnp.stack([jnp.eye(30, 32, k=kd, dtype=jnp.float32) for kd in range(3)])
    w1r = W1[:, :, :, 0, :].reshape(3, 9, 32)
    a1 = jnp.einsum("kde,ksc->dcse", eye30, w1r).reshape(960, 288).astype(jnp.bfloat16)

    eye4 = jnp.stack([jnp.eye(4, 6, k=kd, dtype=jnp.float32) for kd in range(3)])
    w2r = W2.reshape(3, 9, 32, 64)
    bw = jnp.einsum("kdj,kscb->dbjsc", eye4, w2r).reshape(256, 1728).astype(jnp.bfloat16)

    out = pl.pallas_call(
        _body,
        grid=(n, 7),
        in_specs=[
            pl.BlockSpec((1, 32, 1024), lambda i, t: (i, 0, 0)),
            pl.BlockSpec((960, 288), lambda i, t: (0, 0)),
            pl.BlockSpec((256, 1728), lambda i, t: (0, 0)),
        ],
        out_specs=pl.BlockSpec((1, 4, 64, 784), lambda i, t: (i, t, 0, 0)),
        out_shape=jax.ShapeDtypeStruct((n, 28, 64, 784), jnp.float32),
        scratch_shapes=[pltpu.VMEM((30, 288, 784), jnp.bfloat16)],
        interpret=_INTERPRET,
    )(xr, a1, bw)
    return jnp.transpose(out, (0, 2, 1, 3)).reshape(n, 64, 28, 28, 28)

# --- scband reference (transcript-rebuilt; emitter-appended) ---
"""Pipeline reference for scband-sparse-net-40037685133497 (READ-ONLY COPY).

The authoritative reference and input builder live on the scoring server;
editing this copy changes nothing except your own understanding.
"""

import jax, jax.numpy as jnp
import numpy as np
from jax import lax


def setup_inputs(seed: int = 0) -> dict:
    key = jax.random.key(seed)
    k1, k2, k3 = jax.random.split(key, 3)
    x = jax.random.normal(k1, (64, 32, 32, 32, 1), dtype=jnp.float32)
    # spconv SparseConv3d(1, 32, 3, 1) weight: (kD,kH,kW,Cin,Cout), bias=False default
    W1 = jax.random.normal(k2, (3, 3, 3, 1, 32), dtype=jnp.float32) * 0.1
    # spconv SparseConv3d(32, 64, 3, 1)
    W2 = jax.random.normal(k3, (3, 3, 3, 32, 64), dtype=jnp.float32) * 0.05
    return {"x": x, "W1": W1, "W2": W2}


def reference(x, W1, W2):
    # SparseConvTensor.from_dense(x.reshape(-1, 32, 32, 32, 1)):
    # on dense (fully-populated) input, sparse conv == dense 3D conv, VALID padding,
    # stride 1 (spconv SparseConv3d default padding=0).
    x = x.reshape(-1, 32, 32, 32, 1)
    dn = ('NDHWC', 'DHWIO', 'NDHWC')
    y = lax.conv_general_dilated(x, W1, window_strides=(1, 1, 1),
                                 padding='VALID', dimension_numbers=dn)
    y = jnp.maximum(y, 0.0)  # ReLU
    y = lax.conv_general_dilated(y, W2, window_strides=(1, 1, 1),
                                 padding='VALID', dimension_numbers=dn)
    y = jnp.maximum(y, 0.0)  # ReLU
    # ToDense: SparseConvTensor.dense() returns channels-first (N, C, D, H, W)
    return jnp.transpose(y, (0, 4, 1, 2, 3))

if __name__ == "__main__":
    import jax
    _d = setup_inputs()
    print(jax.jit(kernel)(*tuple(_d.values())))

</pallas_src>

<mosaic_0001>
module attributes {stable_mosaic.version = 14 : i64} {
  func.func @_body(%arg0: i32, %arg1: i32, %arg2: memref<1x32x1024xbf16, #tpu.memory_space<vmem>>, %arg3: memref<960x288xbf16, #tpu.memory_space<vmem>>, %arg4: memref<256x1728xbf16, #tpu.memory_space<vmem>>, %arg5: memref<1x4x64x784xf32, #tpu.memory_space<vmem>>, %arg6: memref<30x288x784xbf16, #tpu.memory_space<vmem>>) attributes {dimension_semantics = [#tpu.dimension_semantics<arbitrary>, #tpu.dimension_semantics<arbitrary>], iteration_bounds = array<i64: 64, 7>, scalar_prefetch = 0 : i64, scratch_operands = 1 : i64, tpu.core_type = #tpu.core_type<tc>, window_params = [{transform_indices = @transform_0, window_bounds = array<i64: 1, 32, 1024>}, {pipeline_mode = #tpu.pipeline_mode<synchronous>, transform_indices = @transform_1, window_bounds = array<i64: 960, 288>}, {pipeline_mode = #tpu.pipeline_mode<synchronous>, transform_indices = @transform_2, window_bounds = array<i64: 256, 1728>}, {transform_indices = @transform_3, window_bounds = array<i64: 1, 4, 64, 784>}]} {
    %eq3A = arith.constant 0 : i32
    %eq3A_0 = arith.cmpi eq, %arg1, %eq3A : i32
    %convert_element_type3A = arith.extui %eq3A_0 : i1 to i32
    %cond3A = arith.constant 0 : i32
    %cond3A_1 = arith.cmpi ne, %convert_element_type3A, %cond3A : i32
    scf.if %cond3A_1 {
      %get3A_19 = arith.constant 0 : index
      %get3A_20 = arith.constant 0 : index
      %get3A_21 = arith.constant 0 : index
      %get3A_22 = vector.load %arg2[%get3A_19, %get3A_20, %get3A_21] : memref<1x32x1024xbf16, #tpu.memory_space<vmem>>, vector<1x32x1024xbf16>
      %get3A_23 = vector.shape_cast %get3A_22 : vector<1x32x1024xbf16> to vector<32x1024xbf16>
      %slice3A = vector.extract_strided_slice %get3A_23 {offsets = [0, 0], sizes = [32, 28], strides = [1, 1]} : vector<32x1024xbf16> to vector<32x28xbf16>
      %slice3A_24 = vector.extract_strided_slice %get3A_23 {offsets = [0, 32], sizes = [32, 28], strides = [1, 1]} : vector<32x1024xbf16> to vector<32x28xbf16>
      %slice3A_25 = vector.extract_strided_slice %get3A_23 {offsets = [0, 64], sizes = [32, 28], strides = [1, 1]} : vector<32x1024xbf16> to vector<32x28xbf16>
      %slice3A_26 = vector.extract_strided_slice %get3A_23 {offsets = [0, 96], sizes = [32, 28], strides = [1, 1]} : vector<32x1024xbf16> to vector<32x28xbf16>
      %slice3A_27 = vector.extract_strided_slice %get3A_23 {offsets = [0, 128], sizes = [32, 28], strides = [1, 1]} : vector<32x1024xbf16> to vector<32x28xbf16>
      %slice3A_28 = vector.extract_strided_slice %get3A_23 {offsets = [0, 160], sizes = [32, 28], strides = [1, 1]} : vector<32x1024xbf16> to vector<32x28xbf16>
      %slice3A_29 = vector.extract_strided_slice %get3A_23 {offsets = [0, 192], sizes = [32, 28], strides = [1, 1]} : vector<32x1024xbf16> to vector<32x28xbf16>
      %slice3A_30 = vector.extract_strided_slice %get3A_23 {offsets = [0, 224], sizes = [32, 28], strides = [1, 1]} : vector<32x1024xbf16> to vector<32x28xbf16>
      %slice3A_31 = vector.extract_strided_slice %get3A_23 {offsets = [0, 256], sizes = [32, 28], strides = [1, 1]} : vector<32x1024xbf16> to vector<32x28xbf16>
      %slice3A_32 = vector.extract_strided_slice %get3A_23 {offsets = [0, 288], sizes = [32, 28], strides = [1, 1]} : vector<32x1024xbf16> to vector<32x28xbf16>
      %slice3A_33 = vector.extract_strided_slice %get3A_23 {offsets = [0, 320], sizes = [32, 28], strides = [1, 1]} : vector<32x1024xbf16> to vector<32x28xbf16>
      %slice3A_34 = vector.extract_strided_slice %get3A_23 {offsets = [0, 352], sizes = [32, 28], strides = [1, 1]} : vector<32x1024xbf16> to vector<32x28xbf16>
      %slice3A_35 = vector.extract_strided_slice %get3A_23 {offsets = [0, 384], sizes = [32, 28], strides = [1, 1]} : vector<32x1024xbf16> to vector<32x28xbf16>
      %slice3A_36 = vector.extract_strided_slice %get3A_23 {offsets = [0, 416], sizes = [32, 28], strides = [1, 1]} : vector<32x1024xbf16> to vector<32x28xbf16>
      %slice3A_37 = vector.extract_strided_slice %get3A_23 {offsets = [0, 448], sizes = [32, 28], strides = [1, 1]} : vector<32x1024xbf16> to vector<32x28xbf16>
      %slice3A_38 = vector.extract_strided_slice %get3A_23 {offsets = [0, 480], sizes = [32, 28], strides = [1, 1]} : vector<32x1024xbf16> to vector<32x28xbf16>
      %slice3A_39 = vector.extract_strided_slice %get3A_23 {offsets = [0, 512], sizes = [32, 28], strides = [1, 1]} : vector<32x1024xbf16> to vector<32x28xbf16>
      %slice3A_40 = vector.extract_strided_slice %get3A_23 {offsets = [0, 544], sizes = [32, 28], strides = [1, 1]} : vector<32x1024xbf16> to vector<32x28xbf16>
      %slice3A_41 = vector.extract_strided_slice %get3A_23 {offsets = [0, 576], sizes = [32, 28], strides = [1, 1]} : vector<32x1024xbf16> to vector<32x28xbf16>
      %slice3A_42 = vector.extract_strided_slice %get3A_23 {offsets = [0, 608], sizes = [32, 28], strides = [1, 1]} : vector<32x1024xbf16> to vector<32x28xbf16>
      %slice3A_43 = vector.extract_strided_slice %get3A_23 {offsets = [0, 640], sizes = [32, 28], strides = [1, 1]} : vector<32x1024xbf16> to vector<32x28xbf16>
      %slice3A_44 = vector.extract_strided_slice %get3A_23 {offsets = [0, 672], sizes = [32, 28], strides = [1, 1]} : vector<32x1024xbf16> to vector<32x28xbf16>
      %slice3A_45 = vector.extract_strided_slice %get3A_23 {offsets = [0, 704], sizes = [32, 28], strides = [1, 1]} : vector<32x1024xbf16> to vector<32x28xbf16>
      %slice3A_46 = vector.extract_strided_slice %get3A_23 {offsets = [0, 736], sizes = [32, 28], strides = [1, 1]} : vector<32x1024xbf16> to vector<32x28xbf16>
      %slice3A_47 = vector.extract_strided_slice %get3A_23 {offsets = [0, 768], sizes = [32, 28], strides = [1, 1]} : vector<32x1024xbf16> to vector<32x28xbf16>
      %slice3A_48 = vector.extract_strided_slice %get3A_23 {offsets = [0, 800], sizes = [32, 28], strides = [1, 1]} : vector<32x1024xbf16> to vector<32x28xbf16>
      %slice3A_49 = vector.extract_strided_slice %get3A_23 {offsets = [0, 832], sizes = [32, 28], strides = [1, 1]} : vector<32x1024xbf16> to vector<32x28xbf16>
      %slice3A_50 = vector.extract_strided_slice %get3A_23 {offsets = [0, 864], sizes = [32, 28], strides = [1, 1]} : vector<32x1024xbf16> to vector<32x28xbf16>
      %concatenate3A = tpu.concatenate %slice3A, %slice3A_24, %slice3A_25, %slice3A_26, %slice3A_27, %slice3A_28, %slice3A_29, %slice3A_30, %slice3A_31, %slice3A_32, %slice3A_33, %slice3A_34, %slice3A_35, %slice3A_36, %slice3A_37, %slice3A_38, %slice3A_39, %slice3A_40, %slice3A_41, %slice3A_42, %slice3A_43, %slice3A_44, %slice3A_45, %slice3A_46, %slice3A_47, %slice3A_48, %slice3A_49, %slice3A_50 in 1 : vector<32x28xbf16>, vector<32x28xbf16>, vector<32x28xbf16>, vector<32x28xbf16>, vector<32x28xbf16>, vector<32x28xbf16>, vector<32x28xbf16>, vector<32x28xbf16>, vector<32x28xbf16>, vector<32x28xbf16>, vector<32x28xbf16>, vector<32x28xbf16>, vector<32x28xbf16>, vector<32x28xbf16>, vector<32x28xbf16>, vector<32x28xbf16>, vector<32x28xbf16>, vector<32x28xbf16>, vector<32x28xbf16>, vector<32x28xbf16>, vector<32x28xbf16>, vector<32x28xbf16>, vector<32x28xbf16>, vector<32x28xbf16>, vector<32x28xbf16>, vector<32x28xbf16>, vector<32x28xbf16>, vector<32x28xbf16> -> vector<32x784xbf16>
      %slice3A_51 = vector.extract_strided_slice %get3A_23 {offsets = [0, 1], sizes = [32, 28], strides = [1, 1]} : vector<32x1024xbf16> to vector<32x28xbf16>
      %slice3A_52 = vector.extract_strided_slice %get3A_23 {offsets = [0, 33], sizes = [32, 28], strides = [1, 1]} : vector<32x1024xbf16> to vector<32x28xbf16>
      %slice3A_53 = vector.extract_strided_slice %get3A_23 {offsets = [0, 65], sizes = [32, 28], strides = [1, 1]} : vector<32x1024xbf16> to vector<32x28xbf16>
      %slice3A_54 = vector.extract_strided_slice %get3A_23 {offsets = [0, 97], sizes = [32, 28], strides = [1, 1]} : vector<32x1024xbf16> to vector<32x28xbf16>
      %slice3A_55 = vector.extract_strided_slice %get3A_23 {offsets = [0, 129], sizes = [32, 28], strides = [1, 1]} : vector<32x1024xbf16> to vector<32x28xbf16>
      %slice3A_56 = vector.extract_strided_slice %get3A_23 {offsets = [0, 161], sizes = [32, 28], strides = [1, 1]} : vector<32x1024xbf16> to vector<32x28xbf16>
      %slice3A_57 = vector.extract_strided_slice %get3A_23 {offsets = [0, 193], sizes = [32, 28], strides = [1, 1]} : vector<32x1024xbf16> to vector<32x28xbf16>
      %slice3A_58 = vector.extract_strided_slice %get3A_23 {offsets = [0, 225], sizes = [32, 28], strides = [1, 1]} : vector<32x1024xbf16> to vector<32x28xbf16>
      %slice3A_59 = vector.extract_strided_slice %get3A_23 {offsets = [0, 257], sizes = [32, 28], strides = [1, 1]} : vector<32x1024xbf16> to vector<32x28xbf16>
      %slice3A_60 = vector.extract_strided_slice %get3A_23 {offsets = [0, 289], sizes = [32, 28], strides = [1, 1]} : vector<32x1024xbf16> to vector<32x28xbf16>
      %slice3A_61 = vector.extract_strided_slice %get3A_23 {offsets = [0, 321], sizes = [32, 28], strides = [1, 1]} : vector<32x1024xbf16> to vector<32x28xbf16>
      %slice3A_62 = vector.extract_strided_slice %get3A_23 {offsets = [0, 353], sizes = [32, 28], strides = [1, 1]} : vector<32x1024xbf16> to vector<32x28xbf16>
      %slice3A_63 = vector.extract_strided_slice %get3A_23 {offsets = [0, 385], sizes = [32, 28], strides = [1, 1]} : vector<32x1024xbf16> to vector<32x28xbf16>
      %slice3A_64 = vector.extract_strided_slice %get3A_23 {offsets = [0, 417], sizes = [32, 28], strides = [1, 1]} : vector<32x1024xbf16> to vector<32x28xbf16>
      %slice3A_65 = vector.extract_strided_slice %get3A_23 {offsets = [0, 449], sizes = [32, 28], strides = [1, 1]} : vector<32x1024xbf16> to vector<32x28xbf16>
      %slice3A_66 = vector.extract_strided_slice %get3A_23 {offsets = [0, 481], sizes = [32, 28], strides = [1, 1]} : vector<32x1024xbf16> to vector<32x28xbf16>
      %slice3A_67 = vector.extract_strided_slice %get3A_23 {offsets = [0, 513], sizes = [32, 28], strides = [1, 1]} : vector<32x1024xbf16> to vector<32x28xbf16>
      %slice3A_68 = vector.extract_strided_slice %get3A_23 {offsets = [0, 545], sizes = [32, 28], strides = [1, 1]} : vector<32x1024xbf16> to vector<32x28xbf16>
      %slice3A_69 = vector.extract_strided_slice %get3A_23 {offsets = [0, 577], sizes = [32, 28], strides = [1, 1]} : vector<32x1024xbf16> to vector<32x28xbf16>
      %slice3A_70 = vector.extract_strided_slice %get3A_23 {offsets = [0, 609], sizes = [32, 28], strides = [1, 1]} : vector<32x1024xbf16> to vector<32x28xbf16>
      %slice3A_71 = vector.extract_strided_slice %get3A_23 {offsets = [0, 641], sizes = [32, 28], strides = [1, 1]} : vector<32x1024xbf16> to vector<32x28xbf16>
      %slice3A_72 = vector.extract_strided_slice %get3A_23 {offsets = [0, 673], sizes = [32, 28], strides = [1, 1]} : vector<32x1024xbf16> to vector<32x28xbf16>
      %slice3A_73 = vector.extract_strided_slice %get3A_23 {offsets = [0, 705], sizes = [32, 28], strides = [1, 1]} : vector<32x1024xbf16> to vector<32x28xbf16>
      %slice3A_74 = vector.extract_strided_slice %get3A_23 {offsets = [0, 737], sizes = [32, 28], strides = [1, 1]} : vector<32x1024xbf16> to vector<32x28xbf16>
      %slice3A_75 = vector.extract_strided_slice %get3A_23 {offsets = [0, 769], sizes = [32, 28], strides = [1, 1]} : vector<32x1024xbf16> to vector<32x28xbf16>
      %slice3A_76 = vector.extract_strided_slice %get3A_23 {offsets = [0, 801], sizes = [32, 28], strides = [1, 1]} : vector<32x1024xbf16> to vector<32x28xbf16>
      %slice3A_77 = vector.extract_strided_slice %get3A_23 {offsets = [0, 833], sizes = [32, 28], strides = [1, 1]} : vector<32x1024xbf16> to vector<32x28xbf16>
      %slice3A_78 = vector.extract_strided_slice %get3A_23 {offsets = [0, 865], sizes = [32, 28], strides = [1, 1]} : vector<32x1024xbf16> to vector<32x28xbf16>
      %concatenate3A_79 = tpu.concatenate %slice3A_51, %slice3A_52, %slice3A_53, %slice3A_54, %slice3A_55, %slice3A_56, %slice3A_57, %slice3A_58, %slice3A_59, %slice3A_60, %slice3A_61, %slice3A_62, %slice3A_63, %slice3A_64, %slice3A_65, %slice3A_66, %slice3A_67, %slice3A_68, %slice3A_69, %slice3A_70, %slice3A_71, %slice3A_72, %slice3A_73, %slice3A_74, %slice3A_75, %slice3A_76, %slice3A_77, %slice3A_78 in 1 : vector<32x28xbf16>, vector<32x28xbf16>, vector<32x28xbf16>, vector<32x28xbf16>, vector<32x28xbf16>, vector<32x28xbf16>, vector<32x28xbf16>, vector<32x28xbf16>, vector<32x28xbf16>, vector<32x28xbf16>, vector<32x28xbf16>, vector<32x28xbf16>, vector<32x28xbf16>, vector<32x28xbf16>, vector<32x28xbf16>, vector<32x28xbf16>, vector<32x28xbf16>, vector<32x28xbf16>, vector<32x28xbf16>, vector<32x28xbf16>, vector<32x28xbf16>, vector<32x28xbf16>, vector<32x28xbf16>, vector<32x28xbf16>, vector<32x28xbf16>, vector<32x28xbf16>, vector<32x28xbf16>, vector<32x28xbf16> -> vector<32x784xbf16>
      %slice3A_80 = vector.extract_strided_slice %get3A_23 {offsets = [0, 2], sizes = [32, 28], strides = [1, 1]} : vector<32x1024xbf16> to vector<32x28xbf16>
      %slice3A_81 = vector.extract_strided_slice %get3A_23 {offsets = [0, 34], sizes = [32, 28], strides = [1, 1]} : vector<32x1024xbf16> to vector<32x28xbf16>
      %slice3A_82 = vector.extract_strided_slice %get3A_23 {offsets = [0, 66], sizes = [32, 28], strides = [1, 1]} : vector<32x1024xbf16> to vector<32x28xbf16>
      %slice3A_83 = vector.extract_strided_slice %get3A_23 {offsets = [0, 98], sizes = [32, 28], strides = [1, 1]} : vector<32x1024xbf16> to vector<32x28xbf16>
      %slice3A_84 = vector.extract_strided_slice %get3A_23 {offsets = [0, 130], sizes = [32, 28], strides = [1, 1]} : vector<32x1024xbf16> to vector<32x28xbf16>
      %slice3A_85 = vector.extract_strided_slice %get3A_23 {offsets = [0, 162], sizes = [32, 28], strides = [1, 1]} : vector<32x1024xbf16> to vector<32x28xbf16>
      %slice3A_86 = vector.extract_strided_slice %get3A_23 {offsets = [0, 194], sizes = [32, 28], strides = [1, 1]} : vector<32x1024xbf16> to vector<32x28xbf16>
      %slice3A_87 = vector.extract_strided_slice %get3A_23 {offsets = [0, 226], sizes = [32, 28], strides = [1, 1]} : vector<32x1024xbf16> to vector<32x28xbf16>
      %slice3A_88 = vector.extract_strided_slice %get3A_23 {offsets = [0, 258], sizes = [32, 28], strides = [1, 1]} : vector<32x1024xbf16> to vector<32x28xbf16>
      %slice3A_89 = vector.extract_strided_slice %get3A_23 {offsets = [0, 290], sizes = [32, 28], strides = [1, 1]} : vector<32x1024xbf16> to vector<32x28xbf16>
      %slice3A_90 = vector.extract_strided_slice %get3A_23 {offsets = [0, 322], sizes = [32, 28], strides = [1, 1]} : vector<32x1024xbf16> to vector<32x28xbf16>
      %slice3A_91 = vector.extract_strided_slice %get3A_23 {offsets = [0, 354], sizes = [32, 28], strides = [1, 1]} : vector<32x1024xbf16> to vector<32x28xbf16>
      %slice3A_92 = vector.extract_strided_slice %get3A_23 {offsets = [0, 386], sizes = [32, 28], strides = [1, 1]} : vector<32x1024xbf16> to vector<32x28xbf16>
      %slice3A_93 = vector.extract_strided_slice %get3A_23 {offsets = [0, 418], sizes = [32, 28], strides = [1, 1]} : vector<32x1024xbf16> to vector<32x28xbf16>
      %slice3A_94 = vector.extract_strided_slice %get3A_23 {offsets = [0, 450], sizes = [32, 28], strides = [1, 1]} : vector<32x1024xbf16> to vector<32x28xbf16>
      %slice3A_95 = vector.extract_strided_slice %get3A_23 {offsets = [0, 482], sizes = [32, 28], strides = [1, 1]} : vector<32x1024xbf16> to vector<32x28xbf16>
      %slice3A_96 = vector.extract_strided_slice %get3A_23 {offsets = [0, 514], sizes = [32, 28], strides = [1, 1]} : vector<32x1024xbf16> to vector<32x28xbf16>
      %slice3A_97 = vector.extract_strided_slice %get3A_23 {offsets = [0, 546], sizes = [32, 28], strides = [1, 1]} : vector<32x1024xbf16> to vector<32x28xbf16>
      %slice3A_98 = vector.extract_strided_slice %get3A_23 {offsets = [0, 578], sizes = [32, 28], strides = [1, 1]} : vector<32x1024xbf16> to vector<32x28xbf16>
      %slice3A_99 = vector.extract_strided_slice %get3A_23 {offsets = [0, 610], sizes = [32, 28], strides = [1, 1]} : vector<32x1024xbf16> to vector<32x28xbf16>
      %slice3A_100 = vector.extract_strided_slice %get3A_23 {offsets = [0, 642], sizes = [32, 28], strides = [1, 1]} : vector<32x1024xbf16> to vector<32x28xbf16>
      %slice3A_101 = vector.extract_strided_slice %get3A_23 {offsets = [0, 674], sizes = [32, 28], strides = [1, 1]} : vector<32x1024xbf16> to vector<32x28xbf16>
      %slice3A_102 = vector.extract_strided_slice %get3A_23 {offsets = [0, 706], sizes = [32, 28], strides = [1, 1]} : vector<32x1024xbf16> to vector<32x28xbf16>
      %slice3A_103 = vector.extract_strided_slice %get3A_23 {offsets = [0, 738], sizes = [32, 28], strides = [1, 1]} : vector<32x1024xbf16> to vector<32x28xbf16>
      %slice3A_104 = vector.extract_strided_slice %get3A_23 {offsets = [0, 770], sizes = [32, 28], strides = [1, 1]} : vector<32x1024xbf16> to vector<32x28xbf16>
      %slice3A_105 = vector.extract_strided_slice %get3A_23 {offsets = [0, 802], sizes = [32, 28], strides = [1, 1]} : vector<32x1024xbf16> to vector<32x28xbf16>
      %slice3A_106 = vector.extract_strided_slice %get3A_23 {offsets = [0, 834], sizes = [32, 28], strides = [1, 1]} : vector<32x1024xbf16> to vector<32x28xbf16>
      %slice3A_107 = vector.extract_strided_slice %get3A_23 {offsets = [0, 866], sizes = [32, 28], strides = [1, 1]} : vector<32x1024xbf16> to vector<32x28xbf16>
      %concatenate3A_108 = tpu.concatenate %slice3A_80, %slice3A_81, %slice3A_82, %slice3A_83, %slice3A_84, %slice3A_85, %slice3A_86, %slice3A_87, %slice3A_88, %slice3A_89, %slice3A_90, %slice3A_91, %slice3A_92, %slice3A_93, %slice3A_94, %slice3A_95, %slice3A_96, %slice3A_97, %slice3A_98, %slice3A_99, %slice3A_100, %slice3A_101, %slice3A_102, %slice3A_103, %slice3A_104, %slice3A_105, %slice3A_106, %slice3A_107 in 1 : vector<32x28xbf16>, vector<32x28xbf16>, vector<32x28xbf16>, vector<32x28xbf16>, vector<32x28xbf16>, vector<32x28xbf16>, vector<32x28xbf16>, vector<32x28xbf16>, vector<32x28xbf16>, vector<32x28xbf16>, vector<32x28xbf16>, vector<32x28xbf16>, vector<32x28xbf16>, vector<32x28xbf16>, vector<32x28xbf16>, vector<32x28xbf16>, vector<32x28xbf16>, vector<32x28xbf16>, vector<32x28xbf16>, vector<32x28xbf16>, vector<32x28xbf16>, vector<32x28xbf16>, vector<32x28xbf16>, vector<32x28xbf16>, vector<32x28xbf16>, vector<32x28xbf16>, vector<32x28xbf16>, vector<32x28xbf16> -> vector<32x784xbf16>
      %slice3A_109 = vector.extract_strided_slice %get3A_23 {offsets = [0, 3], sizes = [32, 28], strides = [1, 1]} : vector<32x1024xbf16> to vector<32x28xbf16>
      %slice3A_110 = vector.extract_strided_slice %get3A_23 {offsets = [0, 35], sizes = [32, 28], strides = [1, 1]} : vector<32x1024xbf16> to vector<32x28xbf16>
      %slice3A_111 = vector.extract_strided_slice %get3A_23 {offsets = [0, 67], sizes = [32, 28], strides = [1, 1]} : vector<32x1024xbf16> to vector<32x28xbf16>
      %slice3A_112 = vector.extract_strided_slice %get3A_23 {offsets = [0, 99], sizes = [32, 28], strides = [1, 1]} : vector<32x1024xbf16> to vector<32x28xbf16>
      %slice3A_113 = vector.extract_strided_slice %get3A_23 {offsets = [0, 131], sizes = [32, 28], strides = [1, 1]} : vector<32x1024xbf16> to vector<32x28xbf16>
      %slice3A_114 = vector.extract_strided_slice %get3A_23 {offsets = [0, 163], sizes = [32, 28], strides = [1, 1]} : vector<32x1024xbf16> to vector<32x28xbf16>
      %slice3A_115 = vector.extract_strided_slice %get3A_23 {offsets = [0, 195], sizes = [32, 28], strides = [1, 1]} : vector<32x1024xbf16> to vector<32x28xbf16>
      %slice3A_116 = vector.extract_strided_slice %get3A_23 {offsets = [0, 227], sizes = [32, 28], strides = [1, 1]} : vector<32x1024xbf16> to vector<32x28xbf16>
      %slice3A_117 = vector.extract_strided_slice %get3A_23 {offsets = [0, 259], sizes = [32, 28], strides = [1, 1]} : vector<32x1024xbf16> to vector<32x28xbf16>
      %slice3A_118 = vector.extract_strided_slice %get3A_23 {offsets = [0, 291], sizes = [32, 28], strides = [1, 1]} : vector<32x1024xbf16> to vector<32x28xbf16>
      %slice3A_119 = vector.extract_strided_slice %get3A_23 {offsets = [0, 323], sizes = [32, 28], strides = [1, 1]} : vector<32x1024xbf16> to vector<32x28xbf16>
      %slice3A_120 = vector.extract_strided_slice %get3A_23 {offsets = [0, 355], sizes = [32, 28], strides = [1, 1]} : vector<32x1024xbf16> to vector<32x28xbf16>
      %slice3A_121 = vector.extract_strided_slice %get3A_23 {offsets = [0, 387], sizes = [32, 28], strides = [1, 1]} : vector<32x1024xbf16> to vector<32x28xbf16>
      %slice3A_122 = vector.extract_strided_slice %get3A_23 {offsets = [0, 419], sizes = [32, 28], strides = [1, 1]} : vector<32x1024xbf16> to vector<32x28xbf16>
      %slice3A_123 = vector.extract_strided_slice %get3A_23 {offsets = [0, 451], sizes = [32, 28], strides = [1, 1]} : vector<32x1024xbf16> to vector<32x28xbf16>
      %slice3A_124 = vector.extract_strided_slice %get3A_23 {offsets = [0, 483], sizes = [32, 28], strides = [1, 1]} : vector<32x1024xbf16> to vector<32x28xbf16>
      %slice3A_125 = vector.extract_strided_slice %get3A_23 {offsets = [0, 515], sizes = [32, 28], strides = [1, 1]} : vector<32x1024xbf16> to vector<32x28xbf16>
      %slice3A_126 = vector.extract_strided_slice %get3A_23 {offsets = [0, 547], sizes = [32, 28], strides = [1, 1]} : vector<32x1024xbf16> to vector<32x28xbf16>
      %slice3A_127 = vector.extract_strided_slice %get3A_23 {offsets = [0, 579], sizes = [32, 28], strides = [1, 1]} : vector<32x1024xbf16> to vector<32x28xbf16>
      %slice3A_128 = vector.extract_strided_slice %get3A_23 {offsets = [0, 611], sizes = [32, 28], strides = [1, 1]} : vector<32x1024xbf16> to vector<32x28xbf16>
      %slice3A_129 = vector.extract_strided_slice %get3A_23 {offsets = [0, 643], sizes = [32, 28], strides = [1, 1]} : vector<32x1024xbf16> to vector<32x28xbf16>
      %slice3A_130 = vector.extract_strided_slice %get3A_23 {offsets = [0, 675], sizes = [32, 28], strides = [1, 1]} : vector<32x1024xbf16> to vector<32x28xbf16>
      %slice3A_131 = vector.extract_strided_slice %get3A_23 {offsets = [0, 707], sizes = [32, 28], strides = [1, 1]} : vector<32x1024xbf16> to vector<32x28xbf16>
      %slice3A_132 = vector.extract_strided_slice %get3A_23 {offsets = [0, 739], sizes = [32, 28], strides = [1, 1]} : vector<32x1024xbf16> to vector<32x28xbf16>
      %slice3A_133 = vector.extract_strided_slice %get3A_23 {offsets = [0, 771], sizes = [32, 28], strides = [1, 1]} : vector<32x1024xbf16> to vector<32x28xbf16>
      %slice3A_134 = vector.extract_strided_slice %get3A_23 {offsets = [0, 803], sizes = [32, 28], strides = [1, 1]} : vector<32x1024xbf16> to vector<32x28xbf16>
      %slice3A_135 = vector.extract_strided_slice %get3A_23 {offsets = [0, 835], sizes = [32, 28], strides = [1, 1]} : vector<32x1024xbf16> to vector<32x28xbf16>
      %slice3A_136 = vector.extract_strided_slice %get3A_23 {offsets = [0, 867], sizes = [32, 28], strides = [1, 1]} : vector<32x1024xbf16> to vector<32x28xbf16>
      %concatenate3A_137 = tpu.concatenate %slice3A_109, %slice3A_110, %slice3A_111, %slice3A_112, %slice3A_113, %slice3A_114, %slice3A_115, %slice3A_116, %slice3A_117, %slice3A_118, %slice3A_119, %slice3A_120, %slice3A_121, %slice3A_122, %slice3A_123, %slice3A_124, %slice3A_125, %slice3A_126, %slice3A_127, %slice3A_128, %slice3A_129, %slice3A_130, %slice3A_131, %slice3A_132, %slice3A_133, %slice3A_134, %slice3A_135, %slice3A_136 in 1 : vector<32x28xbf16>, vector<32x28xbf16>, vector<32x28xbf16>, vector<32x28xbf16>, vector<32x28xbf16>, vector<32x28xbf16>, vector<32x28xbf16>, vector<32x28xbf16>, vector<32x28xbf16>, vector<32x28xbf16>, vector<32x28xbf16>, vector<32x28xbf16>, vector<32x28xbf16>, vector<32x28xbf16>, vector<32x28xbf16>, vector<32x28xbf16>, vector<32x28xbf16>, vector<32x28xbf16>, vector<32x28xbf16>, vector<32x28xbf16>, vector<32x28xbf16>, vector<32x28xbf16>, vector<32x28xbf16>, vector<32x28xbf16>, vector<32x28xbf16>, vector<32x28xbf16>, vector<32x28xbf16>, vector<32x28xbf16> -> vector<32x784xbf16>
      %slice3A_138 = vector.extract_strided_slice %get3A_23 {offsets = [0, 4], sizes = [32, 28], strides = [1, 1]} : vector<32x1024xbf16> to vector<32x28xbf16>
      %slice3A_139 = vector.extract_strided_slice %get3A_23 {offsets = [0, 36], sizes = [32, 28], strides = [1, 1]} : vector<32x1024xbf16> to vector<32x28xbf16>
      %slice3A_140 = vector.extract_strided_slice %get3A_23 {offsets = [0, 68], sizes = [32, 28], strides = [1, 1]} : vector<32x1024xbf16> to vector<32x28xbf16>
      %slice3A_141 = vector.extract_strided_slice %get3A_23 {offsets = [0, 100], sizes = [32, 28], strides = [1, 1]} : vector<32x1024xbf16> to vector<32x28xbf16>
      %slice3A_142 = vector.extract_strided_slice %get3A_23 {offsets = [0, 132], sizes = [32, 28], strides = [1, 1]} : vector<32x1024xbf16> to vector<32x28xbf16>
      %slice3A_143 = vector.extract_strided_slice %get3A_23 {offsets = [0, 164], sizes = [32, 28], strides = [1, 1]} : vector<32x1024xbf16> to vector<32x28xbf16>
      %slice3A_144 = vector.extract_strided_slice %get3A_23 {offsets = [0, 196], sizes = [32, 28], strides = [1, 1]} : vector<32x1024xbf16> to vector<32x28xbf16>
      %slice3A_145 = vector.extract_strided_slice %get3A_23 {offsets = [0, 228], sizes = [32, 28], strides = [1, 1]} : vector<32x1024xbf16> to vector<32x28xbf16>
      %slice3A_146 = vector.extract_strided_slice %get3A_23 {offsets = [0, 260], sizes = [32, 28], strides = [1, 1]} : vector<32x1024xbf16> to vector<32x28xbf16>
      %slice3A_147 = vector.extract_strided_slice %get3A_23 {offsets = [0, 292], sizes = [32, 28], strides = [1, 1]} : vector<32x1024xbf16> to vector<32x28xbf16>
      %slice3A_148 = vector.extract_strided_slice %get3A_23 {offsets = [0, 324], sizes = [32, 28], strides = [1, 1]} : vector<32x1024xbf16> to vector<32x28xbf16>
      %slice3A_149 = vector.extract_strided_slice %get3A_23 {offsets = [0, 356], sizes = [32, 28], strides = [1, 1]} : vector<32x1024xbf16> to vector<32x28xbf16>
      %slice3A_150 = vector.extract_strided_slice %get3A_23 {offsets = [0, 388], sizes = [32, 28], strides = [1, 1]} : vector<32x1024xbf16> to vector<32x28xbf16>
      %slice3A_151 = vector.extract_strided_slice %get3A_23 {offsets = [0, 420], sizes = [32, 28], strides = [1, 1]} : vector<32x1024xbf16> to vector<32x28xbf16>
      %slice3A_152 = vector.extract_strided_slice %get3A_23 {offsets = [0, 452], sizes = [32, 28], strides = [1, 1]} : vector<32x1024xbf16> to vector<32x28xbf16>
      %slice3A_153 = vector.extract_strided_slice %get3A_23 {offsets = [0, 484], sizes = [32, 28], strides = [1, 1]} : vector<32x1024xbf16> to vector<32x28xbf16>
      %slice3A_154 = vector.extract_strided_slice %get3A_23 {offsets = [0, 516], sizes = [32, 28], strides = [1, 1]} : vector<32x1024xbf16> to vector<32x28xbf16>
      %slice3A_155 = vector.extract_strided_slice %get3A_23 {offsets = [0, 548], sizes = [32, 28], strides = [1, 1]} : vector<32x1024xbf16> to vector<32x28xbf16>
      %slice3A_156 = vector.extract_strided_slice %get3A_23 {offsets = [0, 580], sizes = [32, 28], strides = [1, 1]} : vector<32x1024xbf16> to vector<32x28xbf16>
      %slice3A_157 = vector.extract_strided_slice %get3A_23 {offsets = [0, 612], sizes = [32, 28], strides = [1, 1]} : vector<32x1024xbf16> to vector<32x28xbf16>
      %slice3A_158 = vector.extract_strided_slice %get3A_23 {offsets = [0, 644], sizes = [32, 28], strides = [1, 1]} : vector<32x1024xbf16> to vector<32x28xbf16>
      %slice3A_159 = vector.extract_strided_slice %get3A_23 {offsets = [0, 676], sizes = [32, 28], strides = [1, 1]} : vector<32x1024xbf16> to vector<32x28xbf16>
      %slice3A_160 = vector.extract_strided_slice %get3A_23 {offsets = [0, 708], sizes = [32, 28], strides = [1, 1]} : vector<32x1024xbf16> to vector<32x28xbf16>
      %slice3A_161 = vector.extract_strided_slice %get3A_23 {offsets = [0, 740], sizes = [32, 28], strides = [1, 1]} : vector<32x1024xbf16> to vector<32x28xbf16>
      %slice3A_162 = vector.extract_strided_slice %get3A_23 {offsets = [0, 772], sizes = [32, 28], strides = [1, 1]} : vector<32x1024xbf16> to vector<32x28xbf16>
      %slice3A_163 = vector.extract_strided_slice %get3A_23 {offsets = [0, 804], sizes = [32, 28], strides = [1, 1]} : vector<32x1024xbf16> to vector<32x28xbf16>
      %slice3A_164 = vector.extract_strided_slice %get3A_23 {offsets = [0, 836], sizes = [32, 28], strides = [1, 1]} : vector<32x1024xbf16> to vector<32x28xbf16>
      %slice3A_165 = vector.extract_strided_slice %get3A_23 {offsets = [0, 868], sizes = [32, 28], strides = [1, 1]} : vector<32x1024xbf16> to vector<32x28xbf16>
      %concatenate3A_166 = tpu.concatenate %slice3A_138, %slice3A_139, %slice3A_140, %slice3A_141, %slice3A_142, %slice3A_143, %slice3A_144, %slice3A_145, %slice3A_146, %slice3A_147, %slice3A_148, %slice3A_149, %slice3A_150, %slice3A_151, %slice3A_152, %slice3A_153, %slice3A_154, %slice3A_155, %slice3A_156, %slice3A_157, %slice3A_158, %slice3A_159, %slice3A_160, %slice3A_161, %slice3A_162, %slice3A_163, %slice3A_164, %slice3A_165 in 1 : vector<32x28xbf16>, vector<32x28xbf16>, vector<32x28xbf16>, vector<32x28xbf16>, vector<32x28xbf16>, vector<32x28xbf16>, vector<32x28xbf16>, vector<32x28xbf16>, vector<32x28xbf16>, vector<32x28xbf16>, vector<32x28xbf16>, vector<32x28xbf16>, vector<32x28xbf16>, vector<32x28xbf16>, vector<32x28xbf16>, vector<32x28xbf16>, vector<32x28xbf16>, vector<32x28xbf16>, vector<32x28xbf16>, vector<32x28xbf16>, vector<32x28xbf16>, vector<32x28xbf16>, vector<32x28xbf16>, vector<32x28xbf16>, vector<32x28xbf16>, vector<32x28xbf16>, vector<32x28xbf16>, vector<32x28xbf16> -> vector<32x784xbf16>
      %slice3A_167 = vector.extract_strided_slice %get3A_23 {offsets = [0, 32], sizes = [32, 28], strides = [1, 1]} : vector<32x1024xbf16> to vector<32x28xbf16>
      %slice3A_168 = vector.extract_strided_slice %get3A_23 {offsets = [0, 64], sizes = [32, 28], strides = [1, 1]} : vector<32x1024xbf16> to vector<32x28xbf16>
      %slice3A_169 = vector.extract_strided_slice %get3A_23 {offsets = [0, 96], sizes = [32, 28], strides = [1, 1]} : vector<32x1024xbf16> to vector<32x28xbf16>
      %slice3A_170 = vector.extract_strided_slice %get3A_23 {offsets = [0, 128], sizes = [32, 28], strides = [1, 1]} : vector<32x1024xbf16> to vector<32x28xbf16>
      %slice3A_171 = vector.extract_strided_slice %get3A_23 {offsets = [0, 160], sizes = [32, 28], strides = [1, 1]} : vector<32x1024xbf16> to vector<32x28xbf16>
      %slice3A_172 = vector.extract_strided_slice %get3A_23 {offsets = [0, 192], sizes = [32, 28], strides = [1, 1]} : vector<32x1024xbf16> to vector<32x28xbf16>
      %slice3A_173 = vector.extract_strided_slice %get3A_23 {offsets = [0, 224], sizes = [32, 28], strides = [1, 1]} : vector<32x1024xbf16> to vector<32x28xbf16>
      %slice3A_174 = vector.extract_strided_slice %get3A_23 {offsets = [0, 256], sizes = [32, 28], strides = [1, 1]} : vector<32x1024xbf16> to vector<32x28xbf16>
      %slice3A_175 = vector.extract_strided_slice %get3A_23 {offsets = [0, 288], sizes = [32, 28], strides = [1, 1]} : vector<32x1024xbf16> to vector<32x28xbf16>
      %slice3A_176 = vector.extract_strided_slice %get3A_23 {offsets = [0, 320], sizes = [32, 28], strides = [1, 1]} : vector<32x1024xbf16> to vector<32x28xbf16>
      %slice3A_177 = vector.extract_strided_slice %get3A_23 {offsets = [0, 352], sizes = [32, 28], strides = [1, 1]} : vector<32x1024xbf16> to vector<32x28xbf16>
      %slice3A_178 = vector.extract_strided_slice %get3A_23 {offsets = [0, 384], sizes = [32, 28], strides = [1, 1]} : vector<32x1024xbf16> to vector<32x28xbf16>
      %slice3A_179 = vector.extract_strided_slice %get3A_23 {offsets = [0, 416], sizes = [32, 28], strides = [1, 1]} : vector<32x1024xbf16> to vector<32x28xbf16>
      %slice3A_180 = vector.extract_strided_slice %get3A_23 {offsets = [0, 448], sizes = [32, 28], strides = [1, 1]} : vector<32x1024xbf16> to vector<32x28xbf16>
      %slice3A_181 = vector.extract_strided_slice %get3A_23 {offsets = [0, 480], sizes = [32, 28], strides = [1, 1]} : vector<32x1024xbf16> to vector<32x28xbf16>
      %slice3A_182 = vector.extract_strided_slice %get3A_23 {offsets = [0, 512], sizes = [32, 28], strides = [1, 1]} : vector<32x1024xbf16> to vector<32x28xbf16>
      %slice3A_183 = vector.extract_strided_slice %get3A_23 {offsets = [0, 544], sizes = [32, 28], strides = [1, 1]} : vector<32x1024xbf16> to vector<32x28xbf16>
      %slice3A_184 = vector.extract_strided_slice %get3A_23 {offsets = [0, 576], sizes = [32, 28], strides = [1, 1]} : vector<32x1024xbf16> to vector<32x28xbf16>
      %slice3A_185 = vector.extract_strided_slice %get3A_23 {offsets = [0, 608], sizes = [32, 28], strides = [1, 1]} : vector<32x1024xbf16> to vector<32x28xbf16>
      %slice3A_186 = vector.extract_strided_slice %get3A_23 {offsets = [0, 640], sizes = [32, 28], strides = [1, 1]} : vector<32x1024xbf16> to vector<32x28xbf16>
      %slice3A_187 = vector.extract_strided_slice %get3A_23 {offsets = [0, 672], sizes = [32, 28], strides = [1, 1]} : vector<32x1024xbf16> to vector<32x28xbf16>
      %slice3A_188 = vector.extract_strided_slice %get3A_23 {offsets = [0, 704], sizes = [32, 28], strides = [1, 1]} : vector<32x1024xbf16> to vector<32x28xbf16>
      %slice3A_189 = vector.extract_strided_slice %get3A_23 {offsets = [0, 736], sizes = [32, 28], strides = [1, 1]} : vector<32x1024xbf16> to vector<32x28xbf16>
      %slice3A_190 = vector.extract_strided_slice %get3A_23 {offsets = [0, 768], sizes = [32, 28], strides = [1, 1]} : vector<32x1024xbf16> to vector<32x28xbf16>
      %slice3A_191 = vector.extract_strided_slice %get3A_23 {offsets = [0, 800], sizes = [32, 28], strides = [1, 1]} : vector<32x1024xbf16> to vector<32x28xbf16>
      %slice3A_192 = vector.extract_strided_slice %get3A_23 {offsets = [0, 832], sizes = [32, 28], strides = [1, 1]} : vector<32x1024xbf16> to vector<32x28xbf16>
      %slice3A_193 = vector.extract_strided_slice %get3A_23 {offsets = [0, 864], sizes = [32, 28], strides = [1, 1]} : vector<32x1024xbf16> to vector<32x28xbf16>
      %slice3A_194 = vector.extract_strided_slice %get3A_23 {offsets = [0, 896], sizes = [32, 28], strides = [1, 1]} : vector<32x1024xbf16> to vector<32x28xbf16>
      %concatenate3A_195 = tpu.concatenate %slice3A_167, %slice3A_168, %slice3A_169, %slice3A_170, %slice3A_171, %slice3A_172, %slice3A_173, %slice3A_174, %slice3A_175, %slice3A_176, %slice3A_177, %slice3A_178, %slice3A_179, %slice3A_180, %slice3A_181, %slice3A_182, %slice3A_183, %slice3A_184, %slice3A_185, %slice3A_186, %slice3A_187, %slice3A_188, %slice3A_189, %slice3A_190, %slice3A_191, %slice3A_192, %slice3A_193, %slice3A_194 in 1 : vector<32x28xbf16>, vector<32x28xbf16>, vector<32x28xbf16>, vector<32x28xbf16>, vector<32x28xbf16>, vector<32x28xbf16>, vector<32x28xbf16>, vector<32x28xbf16>, vector<32x28xbf16>, vector<32x28xbf16>, vector<32x28xbf16>, vector<32x28xbf16>, vector<32x28xbf16>, vector<32x28xbf16>, vector<32x28xbf16>, vector<32x28xbf16>, vector<32x28xbf16>, vector<32x28xbf16>, vector<32x28xbf16>, vector<32x28xbf16>, vector<32x28xbf16>, vector<32x28xbf16>, vector<32x28xbf16>, vector<32x28xbf16>, vector<32x28xbf16>, vector<32x28xbf16>, vector<32x28xbf16>, vector<32x28xbf16> -> vector<32x784xbf16>
      %slice3A_196 = vector.extract_strided_slice %get3A_23 {offsets = [0, 33], sizes = [32, 28], strides = [1, 1]} : vector<32x1024xbf16> to vector<32x28xbf16>
      %slice3A_197 = vector.extract_strided_slice %get3A_23 {offsets = [0, 65], sizes = [32, 28], strides = [1, 1]} : vector<32x1024xbf16> to vector<32x28xbf16>
      %slice3A_198 = vector.extract_strided_slice %get3A_23 {offsets = [0, 97], sizes = [32, 28], strides = [1, 1]} : vector<32x1024xbf16> to vector<32x28xbf16>
      %slice3A_199 = vector.extract_strided_slice %get3A_23 {offsets = [0, 129], sizes = [32, 28], strides = [1, 1]} : vector<32x1024xbf16> to vector<32x28xbf16>
      %slice3A_200 = vector.extract_strided_slice %get3A_23 {offsets = [0, 161], sizes = [32, 28], strides = [1, 1]} : vector<32x1024xbf16> to vector<32x28xbf16>
      %slice3A_201 = vector.extract_strided_slice %get3A_23 {offsets = [0, 193], sizes = [32, 28], strides = [1, 1]} : vector<32x1024xbf16> to vector<32x28xbf16>
      %slice3A_202 = vector.extract_strided_slice %get3A_23 {offsets = [0, 225], sizes = [32, 28], strides = [1, 1]} : vector<32x1024xbf16> to vector<32x28xbf16>
      %slice3A_203 = vector.extract_strided_slice %get3A_23 {offsets = [0, 257], sizes = [32, 28], strides = [1, 1]} : vector<32x1024xbf16> to vector<32x28xbf16>
      %slice3A_204 = vector.extract_strided_slice %get3A_23 {offsets = [0, 289], sizes = [32, 28], strides = [1, 1]} : vector<32x1024xbf16> to vector<32x28xbf16>
      %slice3A_205 = vector.extract_strided_slice %get3A_23 {offsets = [0, 321], sizes = [32, 28], strides = [1, 1]} : vector<32x1024xbf16> to vector<32x28xbf16>
      %slice3A_206 = vector.extract_strided_slice %get3A_23 {offsets = [0, 353], sizes = [32, 28], strides = [1, 1]} : vector<32x1024xbf16> to vector<32x28xbf16>
      %slice3A_207 = vector.extract_strided_slice %get3A_23 {offsets = [0, 385], sizes = [32, 28], strides = [1, 1]} : vector<32x1024xbf16> to vector<32x28xbf16>
      %slice3A_208 = vector.extract_strided_slice %get3A_23 {offsets = [0, 417], sizes = [32, 28], strides = [1, 1]} : vector<32x1024xbf16> to vector<32x28xbf16>
      %slice3A_209 = vector.extract_strided_slice %get3A_23 {offsets = [0, 449], sizes = [32, 28], strides = [1, 1]} : vector<32x1024xbf16> to vector<32x28xbf16>
      %slice3A_210 = vector.extract_strided_slice %get3A_23 {offsets = [0, 481], sizes = [32, 28], strides = [1, 1]} : vector<32x1024xbf16> to vector<32x28xbf16>
      %slice3A_211 = vector.extract_strided_slice %get3A_23 {offsets = [0, 513], sizes = [32, 28], strides = [1, 1]} : vector<32x1024xbf16> to vector<32x28xbf16>
      %slice3A_212 = vector.extract_strided_slice %get3A_23 {offsets = [0, 545], sizes = [32, 28], strides = [1, 1]} : vector<32x1024xbf16> to vector<32x28xbf16>
      %slice3A_213 = vector.extract_strided_slice %get3A_23 {offsets = [0, 577], sizes = [32, 28], strides = [1, 1]} : vector<32x1024xbf16> to vector<32x28xbf16>
      %slice3A_214 = vector.extract_strided_slice %get3A_23 {offsets = [0, 609], sizes = [32, 28], strides = [1, 1]} : vector<32x1024xbf16> to vector<32x28xbf16>
      %slice3A_215 = vector.extract_strided_slice %get3A_23 {offsets = [0, 641], sizes = [32, 28], strides = [1, 1]} : vector<32x1024xbf16> to vector<32x28xbf16>
      %slice3A_216 = vector.extract_strided_slice %get3A_23 {offsets = [0, 673], sizes = [32, 28], strides = [1, 1]} : vector<32x1024xbf16> to vector<32x28xbf16>
      %slice3A_217 = vector.extract_strided_slice %get3A_23 {offsets = [0, 705], sizes = [32, 28], strides = [1, 1]} : vector<32x1024xbf16> to vector<32x28xbf16>
      %slice3A_218 = vector.extract_strided_slice %get3A_23 {offsets = [0, 737], sizes = [32, 28], strides = [1, 1]} : vector<32x1024xbf16> to vector<32x28xbf16>
      %slice3A_219 = vector.extract_strided_slice %get3A_23 {offsets = [0, 769], sizes = [32, 28], strides = [1, 1]} : vector<32x1024xbf16> to vector<32x28xbf16>
      %slice3A_220 = vector.extract_strided_slice %get3A_23 {offsets = [0, 801], sizes = [32, 28], strides = [1, 1]} : vector<32x1024xbf16> to vector<32x28xbf16>
      %slice3A_221 = vector.extract_strided_slice %get3A_23 {offsets = [0, 833], sizes = [32, 28], strides = [1, 1]} : vector<32x1024xbf16> to vector<32x28xbf16>
      %slice3A_222 = vector.extract_strided_slice %get3A_23 {offsets = [0, 865], sizes = [32, 28], strides = [1, 1]} : vector<32x1024xbf16> to vector<32x28xbf16>
      %slice3A_223 = vector.extract_strided_slice %get3A_23 {offsets = [0, 897], sizes = [32, 28], strides = [1, 1]} : vector<32x1024xbf16> to vector<32x28xbf16>
      %concatenate3A_224 = tpu.concatenate %slice3A_196, %slice3A_197, %slice3A_198, %slice3A_199, %slice3A_200, %slice3A_201, %slice3A_202, %slice3A_203, %slice3A_204, %slice3A_205, %slice3A_206, %slice3A_207, %slice3A_208, %slice3A_209, %slice3A_210, %slice3A_211, %slice3A_212, %slice3A_213, %slice3A_214, %slice3A_215, %slice3A_216, %slice3A_217, %slice3A_218, %slice3A_219, %slice3A_220, %slice3A_221, %slice3A_222, %slice3A_223 in 1 : vector<32x28xbf16>, vector<32x28xbf16>, vector<32x28xbf16>, vector<32x28xbf16>, vector<32x28xbf16>, vector<32x28xbf16>, vector<32x28xbf16>, vector<32x28xbf16>, vector<32x28xbf16>, vector<32x28xbf16>, vector<32x28xbf16>, vector<32x28xbf16>, vector<32x28xbf16>, vector<32x28xbf16>, vector<32x28xbf16>, vector<32x28xbf16>, vector<32x28xbf16>, vector<32x28xbf16>, vector<32x28xbf16>, vector<32x28xbf16>, vector<32x28xbf16>, vector<32x28xbf16>, vector<32x28xbf16>, vector<32x28xbf16>, vector<32x28xbf16>, vector<32x28xbf16>, vector<32x28xbf16>, vector<32x28xbf16> -> vector<32x784xbf16>
      %slice3A_225 = vector.extract_strided_slice %get3A_23 {offsets = [0, 34], sizes = [32, 28], strides = [1, 1]} : vector<32x1024xbf16> to vector<32x28xbf16>
      %slice3A_226 = vector.extract_strided_slice %get3A_23 {offsets = [0, 66], sizes = [32, 28], strides = [1, 1]} : vector<32x1024xbf16> to vector<32x28xbf16>
      %slice3A_227 = vector.extract_strided_slice %get3A_23 {offsets = [0, 98], sizes = [32, 28], strides = [1, 1]} : vector<32x1024xbf16> to vector<32x28xbf16>
      %slice3A_228 = vector.extract_strided_slice %get3A_23 {offsets = [0, 130], sizes = [32, 28], strides = [1, 1]} : vector<32x1024xbf16> to vector<32x28xbf16>
      %slice3A_229 = vector.extract_strided_slice %get3A_23 {offsets = [0, 162], sizes = [32, 28], strides = [1, 1]} : vector<32x1024xbf16> to vector<32x28xbf16>
      %slice3A_230 = vector.extract_strided_slice %get3A_23 {offsets = [0, 194], sizes = [32, 28], strides = [1, 1]} : vector<32x1024xbf16> to vector<32x28xbf16>
      %slice3A_231 = vector.extract_strided_slice %get3A_23 {offsets = [0, 226], sizes = [32, 28], strides = [1, 1]} : vector<32x1024xbf16> to vector<32x28xbf16>
      %slice3A_232 = vector.extract_strided_slice %get3A_23 {offsets = [0, 258], sizes = [32, 28], strides = [1, 1]} : vector<32x1024xbf16> to vector<32x28xbf16>
      %slice3A_233 = vector.extract_strided_slice %get3A_23 {offsets = [0, 290], sizes = [32, 28], strides = [1, 1]} : vector<32x1024xbf16> to vector<32x28xbf16>
      %slice3A_234 = vector.extract_strided_slice %get3A_23 {offsets = [0, 322], sizes = [32, 28], strides = [1, 1]} : vector<32x1024xbf16> to vector<32x28xbf16>
      %slice3A_235 = vector.extract_strided_slice %get3A_23 {offsets = [0, 354], sizes = [32, 28], strides = [1, 1]} : vector<32x1024xbf16> to vector<32x28xbf16>
      %slice3A_236 = vector.extract_strided_slice %get3A_23 {offsets = [0, 386], sizes = [32, 28], strides = [1, 1]} : vector<32x1024xbf16> to vector<32x28xbf16>
      %slice3A_237 = vector.extract_strided_slice %get3A_23 {offsets = [0, 418], sizes = [32, 28], strides = [1, 1]} : vector<32x1024xbf16> to vector<32x28xbf16>
      %slice3A_238 = vector.extract_strided_slice %get3A_23 {offsets = [0, 450], sizes = [32, 28], strides = [1, 1]} : vector<32x1024xbf16> to vector<32x28xbf16>
      %slice3A_239 = vector.extract_strided_slice %get3A_23 {offsets = [0, 482], sizes = [32, 28], strides = [1, 1]} : vector<32x1024xbf16> to vector<32x28xbf16>
      %slice3A_240 = vector.extract_strided_slice %get3A_23 {offsets = [0, 514], sizes = [32, 28], strides = [1, 1]} : vector<32x1024xbf16> to vector<32x28xbf16>
      %slice3A_241 = vector.extract_strided_slice %get3A_23 {offsets = [0, 546], sizes = [32, 28], strides = [1, 1]} : vector<32x1024xbf16> to vector<32x28xbf16>
      %slice3A_242 = vector.extract_strided_slice %get3A_23 {offsets = [0, 578], sizes = [32, 28], strides = [1, 1]} : vector<32x1024xbf16> to vector<32x28xbf16>
      %slice3A_243 = vector.extract_strided_slice %get3A_23 {offsets = [0, 610], sizes = [32, 28], strides = [1, 1]} : vector<32x1024xbf16> to vector<32x28xbf16>
      %slice3A_244 = vector.extract_strided_slice %get3A_23 {offsets = [0, 642], sizes = [32, 28], strides = [1, 1]} : vector<32x1024xbf16> to vector<32x28xbf16>
      %slice3A_245 = vector.extract_strided_slice %get3A_23 {offsets = [0, 674], sizes = [32, 28], strides = [1, 1]} : vector<32x1024xbf16> to vector<32x28xbf16>
      %slice3A_246 = vector.extract_strided_slice %get3A_23 {offsets = [0, 706], sizes = [32, 28], strides = [1, 1]} : vector<32x1024xbf16> to vector<32x28xbf16>
      %slice3A_247 = vector.extract_strided_slice %get3A_23 {offsets = [0, 738], sizes = [32, 28], strides = [1, 1]} : vector<32x1024xbf16> to vector<32x28xbf16>
      %slice3A_248 = vector.extract_strided_slice %get3A_23 {offsets = [0, 770], sizes = [32, 28], strides = [1, 1]} : vector<32x1024xbf16> to vector<32x28xbf16>
      %slice3A_249 = vector.extract_strided_slice %get3A_23 {offsets = [0, 802], sizes = [32, 28], strides = [1, 1]} : vector<32x1024xbf16> to vector<32x28xbf16>
      %slice3A_250 = vector.extract_strided_slice %get3A_23 {offsets = [0, 834], sizes = [32, 28], strides = [1, 1]} : vector<32x1024xbf16> to vector<32x28xbf16>
      %slice3A_251 = vector.extract_strided_slice %get3A_23 {offsets = [0, 866], sizes = [32, 28], strides = [1, 1]} : vector<32x1024xbf16> to vector<32x28xbf16>
      %slice3A_252 = vector.extract_strided_slice %get3A_23 {offsets = [0, 898], sizes = [32, 28], strides = [1, 1]} : vector<32x1024xbf16> to vector<32x28xbf16>
      %concatenate3A_253 = tpu.concatenate %slice3A_225, %slice3A_226, %slice3A_227, %slice3A_228, %slice3A_229, %slice3A_230, %slice3A_231, %slice3A_232, %slice3A_233, %slice3A_234, %slice3A_235, %slice3A_236, %slice3A_237, %slice3A_238, %slice3A_239, %slice3A_240, %slice3A_241, %slice3A_242, %slice3A_243, %slice3A_244, %slice3A_245, %slice3A_246, %slice3A_247, %slice3A_248, %slice3A_249, %slice3A_250, %slice3A_251, %slice3A_252 in 1 : vector<32x28xbf16>, vector<32x28xbf16>, vector<32x28xbf16>, vector<32x28xbf16>, vector<32x28xbf16>, vector<32x28xbf16>, vector<32x28xbf16>, vector<32x28xbf16>, vector<32x28xbf16>, vector<32x28xbf16>, vector<32x28xbf16>, vector<32x28xbf16>, vector<32x28xbf16>, vector<32x28xbf16>, vector<32x28xbf16>, vector<32x28xbf16>, vector<32x28xbf16>, vector<32x28xbf16>, vector<32x28xbf16>, vector<32x28xbf16>, vector<32x28xbf16>, vector<32x28xbf16>, vector<32x28xbf16>, vector<32x28xbf16>, vector<32x28xbf16>, vector<32x28xbf16>, vector<32x28xbf16>, vector<32x28xbf16> -> vector<32x784xbf16>
      %slice3A_254 = vector.extract_strided_slice %get3A_23 {offsets = [0, 35], sizes = [32, 28], strides = [1, 1]} : vector<32x1024xbf16> to vector<32x28xbf16>
      %slice3A_255 = vector.extract_strided_slice %get3A_23 {offsets = [0, 67], sizes = [32, 28], strides = [1, 1]} : vector<32x1024xbf16> to vector<32x28xbf16>
      %slice3A_256 = vector.extract_strided_slice %get3A_23 {offsets = [0, 99], sizes = [32, 28], strides = [1, 1]} : vector<32x1024xbf16> to vector<32x28xbf16>
      %slice3A_257 = vector.extract_strided_slice %get3A_23 {offsets = [0, 131], sizes = [32, 28], strides = [1, 1]} : vector<32x1024xbf16> to vector<32x28xbf16>
      %slice3A_258 = vector.extract_strided_slice %get3A_23 {offsets = [0, 163], sizes = [32, 28], strides = [1, 1]} : vector<32x1024xbf16> to vector<32x28xbf16>
      %slice3A_259 = vector.extract_strided_slice %get3A_23 {offsets = [0, 195], sizes = [32, 28], strides = [1, 1]} : vector<32x1024xbf16> to vector<32x28xbf16>
      %slice3A_260 = vector.extract_strided_slice %get3A_23 {offsets = [0, 227], sizes = [32, 28], strides = [1, 1]} : vector<32x1024xbf16> to vector<32x28xbf16>
      %slice3A_261 = vector.extract_strided_slice %get3A_23 {offsets = [0, 259], sizes = [32, 28], strides = [1, 1]} : vector<32x1024xbf16> to vector<32x28xbf16>
      %slice3A_262 = vector.extract_strided_slice %get3A_23 {offsets = [0, 291], sizes = [32, 28], strides = [1, 1]} : vector<32x1024xbf16> to vector<32x28xbf16>
      %slice3A_263 = vector.extract_strided_slice %get3A_23 {offsets = [0, 323], sizes = [32, 28], strides = [1, 1]} : vector<32x1024xbf16> to vector<32x28xbf16>
      %slice3A_264 = vector.extract_strided_slice %get3A_23 {offsets = [0, 355], sizes = [32, 28], strides = [1, 1]} : vector<32x1024xbf16> to vector<32x28xbf16>
      %slice3A_265 = vector.extract_strided_slice %get3A_23 {offsets = [0, 387], sizes = [32, 28], strides = [1, 1]} : vector<32x1024xbf16> to vector<32x28xbf16>
      %slice3A_266 = vector.extract_strided_slice %get3A_23 {offsets = [0, 419], sizes = [32, 28], strides = [1, 1]} : vector<32x1024xbf16> to vector<32x28xbf16>
      %slice3A_267 = vector.extract_strided_slice %get3A_23 {offsets = [0, 451], sizes = [32, 28], strides = [1, 1]} : vector<32x1024xbf16> to vector<32x28xbf16>
      %slice3A_268 = vector.extract_strided_slice %get3A_23 {offsets = [0, 483], sizes = [32, 28], strides = [1, 1]} : vector<32x1024xbf16> to vector<32x28xbf16>
      %slice3A_269 = vector.extract_strided_slice %get3A_23 {offsets = [0, 515], sizes = [32, 28], strides = [1, 1]} : vector<32x1024xbf16> to vector<32x28xbf16>
      %slice3A_270 = vector.extract_strided_slice %get3A_23 {offsets = [0, 547], sizes = [32, 28], strides = [1, 1]} : vector<32x1024xbf16> to vector<32x28xbf16>
      %slice3A_271 = vector.extract_strided_slice %get3A_23 {offsets = [0, 579], sizes = [32, 28], strides = [1, 1]} : vector<32x1024xbf16> to vector<32x28xbf16>
      %slice3A_272 = vector.extract_strided_slice %get3A_23 {offsets = [0, 611], sizes = [32, 28], strides = [1, 1]} : vector<32x1024xbf16> to vector<32x28xbf16>
      %slice3A_273 = vector.extract_strided_slice %get3A_23 {offsets = [0, 643], sizes = [32, 28], strides = [1, 1]} : vector<32x1024xbf16> to vector<32x28xbf16>
      %slice3A_274 = vector.extract_strided_slice %get3A_23 {offsets = [0, 675], sizes = [32, 28], strides = [1, 1]} : vector<32x1024xbf16> to vector<32x28xbf16>
      %slice3A_275 = vector.extract_strided_slice %get3A_23 {offsets = [0, 707], sizes = [32, 28], strides = [1, 1]} : vector<32x1024xbf16> to vector<32x28xbf16>
      %slice3A_276 = vector.extract_strided_slice %get3A_23 {offsets = [0, 739], sizes = [32, 28], strides = [1, 1]} : vector<32x1024xbf16> to vector<32x28xbf16>
      %slice3A_277 = vector.extract_strided_slice %get3A_23 {offsets = [0, 771], sizes = [32, 28], strides = [1, 1]} : vector<32x1024xbf16> to vector<32x28xbf16>
      %slice3A_278 = vector.extract_strided_slice %get3A_23 {offsets = [0, 803], sizes = [32, 28], strides = [1, 1]} : vector<32x1024xbf16> to vector<32x28xbf16>
      %slice3A_279 = vector.extract_strided_slice %get3A_23 {offsets = [0, 835], sizes = [32, 28], strides = [1, 1]} : vector<32x1024xbf16> to vector<32x28xbf16>
      %slice3A_280 = vector.extract_strided_slice %get3A_23 {offsets = [0, 867], sizes = [32, 28], strides = [1, 1]} : vector<32x1024xbf16> to vector<32x28xbf16>
      %slice3A_281 = vector.extract_strided_slice %get3A_23 {offsets = [0, 899], sizes = [32, 28], strides = [1, 1]} : vector<32x1024xbf16> to vector<32x28xbf16>
      %concatenate3A_282 = tpu.concatenate %slice3A_254, %slice3A_255, %slice3A_256, %slice3A_257, %slice3A_258, %slice3A_259, %slice3A_260, %slice3A_261, %slice3A_262, %slice3A_263, %slice3A_264, %slice3A_265, %slice3A_266, %slice3A_267, %slice3A_268, %slice3A_269, %slice3A_270, %slice3A_271, %slice3A_272, %slice3A_273, %slice3A_274, %slice3A_275, %slice3A_276, %slice3A_277, %slice3A_278, %slice3A_279, %slice3A_280, %slice3A_281 in 1 : vector<32x28xbf16>, vector<32x28xbf16>, vector<32x28xbf16>, vector<32x28xbf16>, vector<32x28xbf16>, vector<32x28xbf16>, vector<32x28xbf16>, vector<32x28xbf16>, vector<32x28xbf16>, vector<32x28xbf16>, vector<32x28xbf16>, vector<32x28xbf16>, vector<32x28xbf16>, vector<32x28xbf16>, vector<32x28xbf16>, vector<32x28xbf16>, vector<32x28xbf16>, vector<32x28xbf16>, vector<32x28xbf16>, vector<32x28xbf16>, vector<32x28xbf16>, vector<32x28xbf16>, vector<32x28xbf16>, vector<32x28xbf16>, vector<32x28xbf16>, vector<32x28xbf16>, vector<32x28xbf16>, vector<32x28xbf16> -> vector<32x784xbf16>
      %slice3A_283 = vector.extract_strided_slice %get3A_23 {offsets = [0, 36], sizes = [32, 28], strides = [1, 1]} : vector<32x1024xbf16> to vector<32x28xbf16>
      %slice3A_284 = vector.extract_strided_slice %get3A_23 {offsets = [0, 68], sizes = [32, 28], strides = [1, 1]} : vector<32x1024xbf16> to vector<32x28xbf16>
      %slice3A_285 = vector.extract_strided_slice %get3A_23 {offsets = [0, 100], sizes = [32, 28], strides = [1, 1]} : vector<32x1024xbf16> to vector<32x28xbf16>
      %slice3A_286 = vector.extract_strided_slice %get3A_23 {offsets = [0, 132], sizes = [32, 28], strides = [1, 1]} : vector<32x1024xbf16> to vector<32x28xbf16>
      %slice3A_287 = vector.extract_strided_slice %get3A_23 {offsets = [0, 164], sizes = [32, 28], strides = [1, 1]} : vector<32x1024xbf16> to vector<32x28xbf16>
      %slice3A_288 = vector.extract_strided_slice %get3A_23 {offsets = [0, 196], sizes = [32, 28], strides = [1, 1]} : vector<32x1024xbf16> to vector<32x28xbf16>
      %slice3A_289 = vector.extract_strided_slice %get3A_23 {offsets = [0, 228], sizes = [32, 28], strides = [1, 1]} : vector<32x1024xbf16> to vector<32x28xbf16>
      %slice3A_290 = vector.extract_strided_slice %get3A_23 {offsets = [0, 260], sizes = [32, 28], strides = [1, 1]} : vector<32x1024xbf16> to vector<32x28xbf16>
      %slice3A_291 = vector.extract_strided_slice %get3A_23 {offsets = [0, 292], sizes = [32, 28], strides = [1, 1]} : vector<32x1024xbf16> to vector<32x28xbf16>
      %slice3A_292 = vector.extract_strided_slice %get3A_23 {offsets = [0, 324], sizes = [32, 28], strides = [1, 1]} : vector<32x1024xbf16> to vector<32x28xbf16>
      %slice3A_293 = vector.extract_strided_slice %get3A_23 {offsets = [0, 356], sizes = [32, 28], strides = [1, 1]} : vector<32x1024xbf16> to vector<32x28xbf16>
      %slice3A_294 = vector.extract_strided_slice %get3A_23 {offsets = [0, 388], sizes = [32, 28], strides = [1, 1]} : vector<32x1024xbf16> to vector<32x28xbf16>
      %slice3A_295 = vector.extract_strided_slice %get3A_23 {offsets = [0, 420], sizes = [32, 28], strides = [1, 1]} : vector<32x1024xbf16> to vector<32x28xbf16>
      %slice3A_296 = vector.extract_strided_slice %get3A_23 {offsets = [0, 452], sizes = [32, 28], strides = [1, 1]} : vector<32x1024xbf16> to vector<32x28xbf16>
      %slice3A_297 = vector.extract_strided_slice %get3A_23 {offsets = [0, 484], sizes = [32, 28], strides = [1, 1]} : vector<32x1024xbf16> to vector<32x28xbf16>
      %slice3A_298 = vector.extract_strided_slice %get3A_23 {offsets = [0, 516], sizes = [32, 28], strides = [1, 1]} : vector<32x1024xbf16> to vector<32x28xbf16>
      %slice3A_299 = vector.extract_strided_slice %get3A_23 {offsets = [0, 548], sizes = [32, 28], strides = [1, 1]} : vector<32x1024xbf16> to vector<32x28xbf16>
      %slice3A_300 = vector.extract_strided_slice %get3A_23 {offsets = [0, 580], sizes = [32, 28], strides = [1, 1]} : vector<32x1024xbf16> to vector<32x28xbf16>
      %slice3A_301 = vector.extract_strided_slice %get3A_23 {offsets = [0, 612], sizes = [32, 28], strides = [1, 1]} : vector<32x1024xbf16> to vector<32x28xbf16>
      %slice3A_302 = vector.extract_strided_slice %get3A_23 {offsets = [0, 644], sizes = [32, 28], strides = [1, 1]} : vector<32x1024xbf16> to vector<32x28xbf16>
      %slice3A_303 = vector.extract_strided_slice %get3A_23 {offsets = [0, 676], sizes = [32, 28], strides = [1, 1]} : vector<32x1024xbf16> to vector<32x28xbf16>
      %slice3A_304 = vector.extract_strided_slice %get3A_23 {offsets = [0, 708], sizes = [32, 28], strides = [1, 1]} : vector<32x1024xbf16> to vector<32x28xbf16>
      %slice3A_305 = vector.extract_strided_slice %get3A_23 {offsets = [0, 740], sizes = [32, 28], strides = [1, 1]} : vector<32x1024xbf16> to vector<32x28xbf16>
      %slice3A_306 = vector.extract_strided_slice %get3A_23 {offsets = [0, 772], sizes = [32, 28], strides = [1, 1]} : vector<32x1024xbf16> to vector<32x28xbf16>
      %slice3A_307 = vector.extract_strided_slice %get3A_23 {offsets = [0, 804], sizes = [32, 28], strides = [1, 1]} : vector<32x1024xbf16> to vector<32x28xbf16>
      %slice3A_308 = vector.extract_strided_slice %get3A_23 {offsets = [0, 836], sizes = [32, 28], strides = [1, 1]} : vector<32x1024xbf16> to vector<32x28xbf16>
      %slice3A_309 = vector.extract_strided_slice %get3A_23 {offsets = [0, 868], sizes = [32, 28], strides = [1, 1]} : vector<32x1024xbf16> to vector<32x28xbf16>
      %slice3A_310 = vector.extract_strided_slice %get3A_23 {offsets = [0, 900], sizes = [32, 28], strides = [1, 1]} : vector<32x1024xbf16> to vector<32x28xbf16>
      %concatenate3A_311 = tpu.concatenate %slice3A_283, %slice3A_284, %slice3A_285, %slice3A_286, %slice3A_287, %slice3A_288, %slice3A_289, %slice3A_290, %slice3A_291, %slice3A_292, %slice3A_293, %slice3A_294, %slice3A_295, %slice3A_296, %slice3A_297, %slice3A_298, %slice3A_299, %slice3A_300, %slice3A_301, %slice3A_302, %slice3A_303, %slice3A_304, %slice3A_305, %slice3A_306, %slice3A_307, %slice3A_308, %slice3A_309, %slice3A_310 in 1 : vector<32x28xbf16>, vector<32x28xbf16>, vector<32x28xbf16>, vector<32x28xbf16>, vector<32x28xbf16>, vector<32x28xbf16>, vector<32x28xbf16>, vector<32x28xbf16>, vector<32x28xbf16>, vector<32x28xbf16>, vector<32x28xbf16>, vector<32x28xbf16>, vector<32x28xbf16>, vector<32x28xbf16>, vector<32x28xbf16>, vector<32x28xbf16>, vector<32x28xbf16>, vector<32x28xbf16>, vector<32x28xbf16>, vector<32x28xbf16>, vector<32x28xbf16>, vector<32x28xbf16>, vector<32x28xbf16>, vector<32x28xbf16>, vector<32x28xbf16>, vector<32x28xbf16>, vector<32x28xbf16>, vector<32x28xbf16> -> vector<32x784xbf16>
      %slice3A_312 = vector.extract_strided_slice %get3A_23 {offsets = [0, 64], sizes = [32, 28], strides = [1, 1]} : vector<32x1024xbf16> to vector<32x28xbf16>
      %slice3A_313 = vector.extract_strided_slice %get3A_23 {offsets = [0, 96], sizes = [32, 28], strides = [1, 1]} : vector<32x1024xbf16> to vector<32x28xbf16>
      %slice3A_314 = vector.extract_strided_slice %get3A_23 {offsets = [0, 128], sizes = [32, 28], strides = [1, 1]} : vector<32x1024xbf16> to vector<32x28xbf16>
      %slice3A_315 = vector.extract_strided_slice %get3A_23 {offsets = [0, 160], sizes = [32, 28], strides = [1, 1]} : vector<32x1024xbf16> to vector<32x28xbf16>
      %slice3A_316 = vector.extract_strided_slice %get3A_23 {offsets = [0, 192], sizes = [32, 28], strides = [1, 1]} : vector<32x1024xbf16> to vector<32x28xbf16>
      %slice3A_317 = vector.extract_strided_slice %get3A_23 {offsets = [0, 224], sizes = [32, 28], strides = [1, 1]} : vector<32x1024xbf16> to vector<32x28xbf16>
      %slice3A_318 = vector.extract_strided_slice %get3A_23 {offsets = [0, 256], sizes = [32, 28], strides = [1, 1]} : vector<32x1024xbf16> to vector<32x28xbf16>
      %slice3A_319 = vector.extract_strided_slice %get3A_23 {offsets = [0, 288], sizes = [32, 28], strides = [1, 1]} : vector<32x1024xbf16> to vector<32x28xbf16>
      %slice3A_320 = vector.extract_strided_slice %get3A_23 {offsets = [0, 320], sizes = [32, 28], strides = [1, 1]} : vector<32x1024xbf16> to vector<32x28xbf16>
      %slice3A_321 = vector.extract_strided_slice %get3A_23 {offsets = [0, 352], sizes = [32, 28], strides = [1, 1]} : vector<32x1024xbf16> to vector<32x28xbf16>
      %slice3A_322 = vector.extract_strided_slice %get3A_23 {offsets = [0, 384], sizes = [32, 28], strides = [1, 1]} : vector<32x1024xbf16> to vector<32x28xbf16>
      %slice3A_323 = vector.extract_strided_slice %get3A_23 {offsets = [0, 416], sizes = [32, 28], strides = [1, 1]} : vector<32x1024xbf16> to vector<32x28xbf16>
      %slice3A_324 = vector.extract_strided_slice %get3A_23 {offsets = [0, 448], sizes = [32, 28], strides = [1, 1]} : vector<32x1024xbf16> to vector<32x28xbf16>
      %slice3A_325 = vector.extract_strided_slice %get3A_23 {offsets = [0, 480], sizes = [32, 28], strides = [1, 1]} : vector<32x1024xbf16> to vector<32x28xbf16>
      %slice3A_326 = vector.extract_strided_slice %get3A_23 {offsets = [0, 512], sizes = [32, 28], strides = [1, 1]} : vector<32x1024xbf16> to vector<32x28xbf16>
      %slice3A_327 = vector.extract_strided_slice %get3A_23 {offsets = [0, 544], sizes = [32, 28], strides = [1, 1]} : vector<32x1024xbf16> to vector<32x28xbf16>
      %slice3A_328 = vector.extract_strided_slice %get3A_23 {offsets = [0, 576], sizes = [32, 28], strides = [1, 1]} : vector<32x1024xbf16> to vector<32x28xbf16>
      %slice3A_329 = vector.extract_strided_slice %get3A_23 {offsets = [0, 608], sizes = [32, 28], strides = [1, 1]} : vector<32x1024xbf16> to vector<32x28xbf16>
      %slice3A_330 = vector.extract_strided_slice %get3A_23 {offsets = [0, 640], sizes = [32, 28], strides = [1, 1]} : vector<32x1024xbf16> to vector<32x28xbf16>
      %slice3A_331 = vector.extract_strided_slice %get3A_23 {offsets = [0, 672], sizes = [32, 28], strides = [1, 1]} : vector<32x1024xbf16> to vector<32x28xbf16>
      %slice3A_332 = vector.extract_strided_slice %get3A_23 {offsets = [0, 704], sizes = [32, 28], strides = [1, 1]} : vector<32x1024xbf16> to vector<32x28xbf16>
      %slice3A_333 = vector.extract_strided_slice %get3A_23 {offsets = [0, 736], sizes = [32, 28], strides = [1, 1]} : vector<32x1024xbf16> to vector<32x28xbf16>
      %slice3A_334 = vector.extract_strided_slice %get3A_23 {offsets = [0, 768], sizes = [32, 28], strides = [1, 1]} : vector<32x1024xbf16> to vector<32x28xbf16>
      %slice3A_335 = vector.extract_strided_slice %get3A_23 {offsets = [0, 800], sizes = [32, 28], strides = [1, 1]} : vector<32x1024xbf16> to vector<32x28xbf16>
      %slice3A_336 = vector.extract_strided_slice %get3A_23 {offsets = [0, 832], sizes = [32, 28], strides = [1, 1]} : vector<32x1024xbf16> to vector<32x28xbf16>
      %slice3A_337 = vector.extract_strided_slice %get3A_23 {offsets = [0, 864], sizes = [32, 28], strides = [1, 1]} : vector<32x1024xbf16> to vector<32x28xbf16>
      %slice3A_338 = vector.extract_strided_slice %get3A_23 {offsets = [0, 896], sizes = [32, 28], strides = [1, 1]} : vector<32x1024xbf16> to vector<32x28xbf16>
      %slice3A_339 = vector.extract_strided_slice %get3A_23 {offsets = [0, 928], sizes = [32, 28], strides = [1, 1]} : vector<32x1024xbf16> to vector<32x28xbf16>
      %concatenate3A_340 = tpu.concatenate %slice3A_312, %slice3A_313, %slice3A_314, %slice3A_315, %slice3A_316, %slice3A_317, %slice3A_318, %slice3A_319, %slice3A_320, %slice3A_321, %slice3A_322, %slice3A_323, %slice3A_324, %slice3A_325, %slice3A_326, %slice3A_327, %slice3A_328, %slice3A_329, %slice3A_330, %slice3A_331, %slice3A_332, %slice3A_333, %slice3A_334, %slice3A_335, %slice3A_336, %slice3A_337, %slice3A_338, %slice3A_339 in 1 : vector<32x28xbf16>, vector<32x28xbf16>, vector<32x28xbf16>, vector<32x28xbf16>, vector<32x28xbf16>, vector<32x28xbf16>, vector<32x28xbf16>, vector<32x28xbf16>, vector<32x28xbf16>, vector<32x28xbf16>, vector<32x28xbf16>, vector<32x28xbf16>, vector<32x28xbf16>, vector<32x28xbf16>, vector<32x28xbf16>, vector<32x28xbf16>, vector<32x28xbf16>, vector<32x28xbf16>, vector<32x28xbf16>, vector<32x28xbf16>, vector<32x28xbf16>, vector<32x28xbf16>, vector<32x28xbf16>, vector<32x28xbf16>, vector<32x28xbf16>, vector<32x28xbf16>, vector<32x28xbf16>, vector<32x28xbf16> -> vector<32x784xbf16>
      %slice3A_341 = vector.extract_strided_slice %get3A_23 {offsets = [0, 65], sizes = [32, 28], strides = [1, 1]} : vector<32x1024xbf16> to vector<32x28xbf16>
      %slice3A_342 = vector.extract_strided_slice %get3A_23 {offsets = [0, 97], sizes = [32, 28], strides = [1, 1]} : vector<32x1024xbf16> to vector<32x28xbf16>
      %slice3A_343 = vector.extract_strided_slice %get3A_23 {offsets = [0, 129], sizes = [32, 28], strides = [1, 1]} : vector<32x1024xbf16> to vector<32x28xbf16>
      %slice3A_344 = vector.extract_strided_slice %get3A_23 {offsets = [0, 161], sizes = [32, 28], strides = [1, 1]} : vector<32x1024xbf16> to vector<32x28xbf16>
      %slice3A_345 = vector.extract_strided_slice %get3A_23 {offsets = [0, 193], sizes = [32, 28], strides = [1, 1]} : vector<32x1024xbf16> to vector<32x28xbf16>
      %slice3A_346 = vector.extract_strided_slice %get3A_23 {offsets = [0, 225], sizes = [32, 28], strides = [1, 1]} : vector<32x1024xbf16> to vector<32x28xbf16>
      %slice3A_347 = vector.extract_strided_slice %get3A_23 {offsets = [0, 257], sizes = [32, 28], strides = [1, 1]} : vector<32x1024xbf16> to vector<32x28xbf16>
      %slice3A_348 = vector.extract_strided_slice %get3A_23 {offsets = [0, 289], sizes = [32, 28], strides = [1, 1]} : vector<32x1024xbf16> to vector<32x28xbf16>
      %slice3A_349 = vector.extract_strided_slice %get3A_23 {offsets = [0, 321], sizes = [32, 28], strides = [1, 1]} : vector<32x1024xbf16> to vector<32x28xbf16>
      %slice3A_350 = vector.extract_strided_slice %get3A_23 {offsets = [0, 353], sizes = [32, 28], strides = [1, 1]} : vector<32x1024xbf16> to vector<32x28xbf16>
      %slice3A_351 = vector.extract_strided_slice %get3A_23 {offsets = [0, 385], sizes = [32, 28], strides = [1, 1]} : vector<32x1024xbf16> to vector<32x28xbf16>
      %slice3A_352 = vector.extract_strided_slice %get3A_23 {offsets = [0, 417], sizes = [32, 28], strides = [1, 1]} : vector<32x1024xbf16> to vector<32x28xbf16>
      %slice3A_353 = vector.extract_strided_slice %get3A_23 {offsets = [0, 449], sizes = [32, 28], strides = [1, 1]} : vector<32x1024xbf16> to vector<32x28xbf16>
      %slice3A_354 = vector.extract_strided_slice %get3A_23 {offsets = [0, 481], sizes = [32, 28], strides = [1, 1]} : vector<32x1024xbf16> to vector<32x28xbf16>
      %slice3A_355 = vector.extract_strided_slice %get3A_23 {offsets = [0, 513], sizes = [32, 28], strides = [1, 1]} : vector<32x1024xbf16> to vector<32x28xbf16>
      %slice3A_356 = vector.extract_strided_slice %get3A_23 {offsets = [0, 545], sizes = [32, 28], strides = [1, 1]} : vector<32x1024xbf16> to vector<32x28xbf16>
      %slice3A_357 = vector.extract_strided_slice %get3A_23 {offsets = [0, 577], sizes = [32, 28], strides = [1, 1]} : vector<32x1024xbf16> to vector<32x28xbf16>
      %slice3A_358 = vector.extract_strided_slice %get3A_23 {offsets = [0, 609], sizes = [32, 28], strides = [1, 1]} : vector<32x1024xbf16> to vector<32x28xbf16>
      %slice3A_359 = vector.extract_strided_slice %get3A_23 {offsets = [0, 641], sizes = [32, 28], strides = [1, 1]} : vector<32x1024xbf16> to vector<32x28xbf16>
      %slice3A_360 = vector.extract_strided_slice %get3A_23 {offsets = [0, 673], sizes = [32, 28], strides = [1, 1]} : vector<32x1024xbf16> to vector<32x28xbf16>
      %slice3A_361 = vector.extract_strided_slice %get3A_23 {offsets = [0, 705], sizes = [32, 28], strides = [1, 1]} : vector<32x1024xbf16> to vector<32x28xbf16>
      %slice3A_362 = vector.extract_strided_slice %get3A_23 {offsets = [0, 737], sizes = [32, 28], strides = [1, 1]} : vector<32x1024xbf16> to vector<32x28xbf16>
      %slice3A_363 = vector.extract_strided_slice %get3A_23 {offsets = [0, 769], sizes = [32, 28], strides = [1, 1]} : vector<32x1024xbf16> to vector<32x28xbf16>
      %slice3A_364 = vector.extract_strided_slice %get3A_23 {offsets = [0, 801], sizes = [32, 28], strides = [1, 1]} : vector<32x1024xbf16> to vector<32x28xbf16>
      %slice3A_365 = vector.extract_strided_slice %get3A_23 {offsets = [0, 833], sizes = [32, 28], strides = [1, 1]} : vector<32x1024xbf16> to vector<32x28xbf16>
      %slice3A_366 = vector.extract_strided_slice %get3A_23 {offsets = [0, 865], sizes = [32, 28], strides = [1, 1]} : vector<32x1024xbf16> to vector<32x28xbf16>
      %slice3A_367 = vector.extract_strided_slice %get3A_23 {offsets = [0, 897], sizes = [32, 28], strides = [1, 1]} : vector<32x1024xbf16> to vector<32x28xbf16>
      %slice3A_368 = vector.extract_strided_slice %get3A_23 {offsets = [0, 929], sizes = [32, 28], strides = [1, 1]} : vector<32x1024xbf16> to vector<32x28xbf16>
      %concatenate3A_369 = tpu.concatenate %slice3A_341, %slice3A_342, %slice3A_343, %slice3A_344, %slice3A_345, %slice3A_346, %slice3A_347, %slice3A_348, %slice3A_349, %slice3A_350, %slice3A_351, %slice3A_352, %slice3A_353, %slice3A_354, %slice3A_355, %slice3A_356, %slice3A_357, %slice3A_358, %slice3A_359, %slice3A_360, %slice3A_361, %slice3A_362, %slice3A_363, %slice3A_364, %slice3A_365, %slice3A_366, %slice3A_367, %slice3A_368 in 1 : vector<32x28xbf16>, vector<32x28xbf16>, vector<32x28xbf16>, vector<32x28xbf16>, vector<32x28xbf16>, vector<32x28xbf16>, vector<32x28xbf16>, vector<32x28xbf16>, vector<32x28xbf16>, vector<32x28xbf16>, vector<32x28xbf16>, vector<32x28xbf16>, vector<32x28xbf16>, vector<32x28xbf16>, vector<32x28xbf16>, vector<32x28xbf16>, vector<32x28xbf16>, vector<32x28xbf16>, vector<32x28xbf16>, vector<32x28xbf16>, vector<32x28xbf16>, vector<32x28xbf16>, vector<32x28xbf16>, vector<32x28xbf16>, vector<32x28xbf16>, vector<32x28xbf16>, vector<32x28xbf16>, vector<32x28xbf16> -> vector<32x784xbf16>
      %slice3A_370 = vector.extract_strided_slice %get3A_23 {offsets = [0, 66], sizes = [32, 28], strides = [1, 1]} : vector<32x1024xbf16> to vector<32x28xbf16>
      %slice3A_371 = vector.extract_strided_slice %get3A_23 {offsets = [0, 98], sizes = [32, 28], strides = [1, 1]} : vector<32x1024xbf16> to vector<32x28xbf16>
      %slice3A_372 = vector.extract_strided_slice %get3A_23 {offsets = [0, 130], sizes = [32, 28], strides = [1, 1]} : vector<32x1024xbf16> to vector<32x28xbf16>
      %slice3A_373 = vector.extract_strided_slice %get3A_23 {offsets = [0, 162], sizes = [32, 28], strides = [1, 1]} : vector<32x1024xbf16> to vector<32x28xbf16>
      %slice3A_374 = vector.extract_strided_slice %get3A_23 {offsets = [0, 194], sizes = [32, 28], strides = [1, 1]} : vector<32x1024xbf16> to vector<32x28xbf16>
      %slice3A_375 = vector.extract_strided_slice %get3A_23 {offsets = [0, 226], sizes = [32, 28], strides = [1, 1]} : vector<32x1024xbf16> to vector<32x28xbf16>
      %slice3A_376 = vector.extract_strided_slice %get3A_23 {offsets = [0, 258], sizes = [32, 28], strides = [1, 1]} : vector<32x1024xbf16> to vector<32x28xbf16>
      %slice3A_377 = vector.extract_strided_slice %get3A_23 {offsets = [0, 290], sizes = [32, 28], strides = [1, 1]} : vector<32x1024xbf16> to vector<32x28xbf16>
      %slice3A_378 = vector.extract_strided_slice %get3A_23 {offsets = [0, 322], sizes = [32, 28], strides = [1, 1]} : vector<32x1024xbf16> to vector<32x28xbf16>
      %slice3A_379 = vector.extract_strided_slice %get3A_23 {offsets = [0, 354], sizes = [32, 28], strides = [1, 1]} : vector<32x1024xbf16> to vector<32x28xbf16>
      %slice3A_380 = vector.extract_strided_slice %get3A_23 {offsets = [0, 386], sizes = [32, 28], strides = [1, 1]} : vector<32x1024xbf16> to vector<32x28xbf16>
      %slice3A_381 = vector.extract_strided_slice %get3A_23 {offsets = [0, 418], sizes = [32, 28], strides = [1, 1]} : vector<32x1024xbf16> to vector<32x28xbf16>
      %slice3A_382 = vector.extract_strided_slice %get3A_23 {offsets = [0, 450], sizes = [32, 28], strides = [1, 1]} : vector<32x1024xbf16> to vector<32x28xbf16>
      %slice3A_383 = vector.extract_strided_slice %get3A_23 {offsets = [0, 482], sizes = [32, 28], strides = [1, 1]} : vector<32x1024xbf16> to vector<32x28xbf16>
      %slice3A_384 = vector.extract_strided_slice %get3A_23 {offsets = [0, 514], sizes = [32, 28], strides = [1, 1]} : vector<32x1024xbf16> to vector<32x28xbf16>
      %slice3A_385 = vector.extract_strided_slice %get3A_23 {offsets = [0, 546], sizes = [32, 28], strides = [1, 1]} : vector<32x1024xbf16> to vector<32x28xbf16>
      %slice3A_386 = vector.extract_strided_slice %get3A_23 {offsets = [0, 578], sizes = [32, 28], strides = [1, 1]} : vector<32x1024xbf16> to vector<32x28xbf16>
      %slice3A_387 = vector.extract_strided_slice %get3A_23 {offsets = [0, 610], sizes = [32, 28], strides = [1, 1]} : vector<32x1024xbf16> to vector<32x28xbf16>
      %slice3A_388 = vector.extract_strided_slice %get3A_23 {offsets = [0, 642], sizes = [32, 28], strides = [1, 1]} : vector<32x1024xbf16> to vector<32x28xbf16>
      %slice3A_389 = vector.extract_strided_slice %get3A_23 {offsets = [0, 674], sizes = [32, 28], strides = [1, 1]} : vector<32x1024xbf16> to vector<32x28xbf16>
      %slice3A_390 = vector.extract_strided_slice %get3A_23 {offsets = [0, 706], sizes = [32, 28], strides = [1, 1]} : vector<32x1024xbf16> to vector<32x28xbf16>
      %slice3A_391 = vector.extract_strided_slice %get3A_23 {offsets = [0, 738], sizes = [32, 28], strides = [1, 1]} : vector<32x1024xbf16> to vector<32x28xbf16>
      %slice3A_392 = vector.extract_strided_slice %get3A_23 {offsets = [0, 770], sizes = [32, 28], strides = [1, 1]} : vector<32x1024xbf16> to vector<32x28xbf16>
      %slice3A_393 = vector.extract_strided_slice %get3A_23 {offsets = [0, 802], sizes = [32, 28], strides = [1, 1]} : vector<32x1024xbf16> to vector<32x28xbf16>
      %slice3A_394 = vector.extract_strided_slice %get3A_23 {offsets = [0, 834], sizes = [32, 28], strides = [1, 1]} : vector<32x1024xbf16> to vector<32x28xbf16>
      %slice3A_395 = vector.extract_strided_slice %get3A_23 {offsets = [0, 866], sizes = [32, 28], strides = [1, 1]} : vector<32x1024xbf16> to vector<32x28xbf16>
      %slice3A_396 = vector.extract_strided_slice %get3A_23 {offsets = [0, 898], sizes = [32, 28], strides = [1, 1]} : vector<32x1024xbf16> to vector<32x28xbf16>
      %slice3A_397 = vector.extract_strided_slice %get3A_23 {offsets = [0, 930], sizes = [32, 28], strides = [1, 1]} : vector<32x1024xbf16> to vector<32x28xbf16>
      %concatenate3A_398 = tpu.concatenate %slice3A_370, %slice3A_371, %slice3A_372, %slice3A_373, %slice3A_374, %slice3A_375, %slice3A_376, %slice3A_377, %slice3A_378, %slice3A_379, %slice3A_380, %slice3A_381, %slice3A_382, %slice3A_383, %slice3A_384, %slice3A_385, %slice3A_386, %slice3A_387, %slice3A_388, %slice3A_389, %slice3A_390, %slice3A_391, %slice3A_392, %slice3A_393, %slice3A_394, %slice3A_395, %slice3A_396, %slice3A_397 in 1 : vector<32x28xbf16>, vector<32x28xbf16>, vector<32x28xbf16>, vector<32x28xbf16>, vector<32x28xbf16>, vector<32x28xbf16>, vector<32x28xbf16>, vector<32x28xbf16>, vector<32x28xbf16>, vector<32x28xbf16>, vector<32x28xbf16>, vector<32x28xbf16>, vector<32x28xbf16>, vector<32x28xbf16>, vector<32x28xbf16>, vector<32x28xbf16>, vector<32x28xbf16>, vector<32x28xbf16>, vector<32x28xbf16>, vector<32x28xbf16>, vector<32x28xbf16>, vector<32x28xbf16>, vector<32x28xbf16>, vector<32x28xbf16>, vector<32x28xbf16>, vector<32x28xbf16>, vector<32x28xbf16>, vector<32x28xbf16> -> vector<32x784xbf16>
      %slice3A_399 = vector.extract_strided_slice %get3A_23 {offsets = [0, 67], sizes = [32, 28], strides = [1, 1]} : vector<32x1024xbf16> to vector<32x28xbf16>
      %slice3A_400 = vector.extract_strided_slice %get3A_23 {offsets = [0, 99], sizes = [32, 28], strides = [1, 1]} : vector<32x1024xbf16> to vector<32x28xbf16>
      %slice3A_401 = vector.extract_strided_slice %get3A_23 {offsets = [0, 131], sizes = [32, 28], strides = [1, 1]} : vector<32x1024xbf16> to vector<32x28xbf16>
      %slice3A_402 = vector.extract_strided_slice %get3A_23 {offsets = [0, 163], sizes = [32, 28], strides = [1, 1]} : vector<32x1024xbf16> to vector<32x28xbf16>
      %slice3A_403 = vector.extract_strided_slice %get3A_23 {offsets = [0, 195], sizes = [32, 28], strides = [1, 1]} : vector<32x1024xbf16> to vector<32x28xbf16>
      %slice3A_404 = vector.extract_strided_slice %get3A_23 {offsets = [0, 227], sizes = [32, 28], strides = [1, 1]} : vector<32x1024xbf16> to vector<32x28xbf16>
      %slice3A_405 = vector.extract_strided_slice %get3A_23 {offsets = [0, 259], sizes = [32, 28], strides = [1, 1]} : vector<32x1024xbf16> to vector<32x28xbf16>
      %slice3A_406 = vector.extract_strided_slice %get3A_23 {offsets = [0, 291], sizes = [32, 28], strides = [1, 1]} : vector<32x1024xbf16> to vector<32x28xbf16>
      %slice3A_407 = vector.extract_strided_slice %get3A_23 {offsets = [0, 323], sizes = [32, 28], strides = [1, 1]} : vector<32x1024xbf16> to vector<32x28xbf16>
      %slice3A_408 = vector.extract_strided_slice %get3A_23 {offsets = [0, 355], sizes = [32, 28], strides = [1, 1]} : vector<32x1024xbf16> to vector<32x28xbf16>
      %slice3A_409 = vector.extract_strided_slice %get3A_23 {offsets = [0, 387], sizes = [32, 28], strides = [1, 1]} : vector<32x1024xbf16> to vector<32x28xbf16>
      %slice3A_410 = vector.extract_strided_slice %get3A_23 {offsets = [0, 419], sizes = [32, 28], strides = [1, 1]} : vector<32x1024xbf16> to vector<32x28xbf16>
      %slice3A_411 = vector.extract_strided_slice %get3A_23 {offsets = [0, 451], sizes = [32, 28], strides = [1, 1]} : vector<32x1024xbf16> to vector<32x28xbf16>
      %slice3A_412 = vector.extract_strided_slice %get3A_23 {offsets = [0, 483], sizes = [32, 28], strides = [1, 1]} : vector<32x1024xbf16> to vector<32x28xbf16>
      %slice3A_413 = vector.extract_strided_slice %get3A_23 {offsets = [0, 515], sizes = [32, 28], strides = [1, 1]} : vector<32x1024xbf16> to vector<32x28xbf16>
      %slice3A_414 = vector.extract_strided_slice %get3A_23 {offsets = [0, 547], sizes = [32, 28], strides = [1, 1]} : vector<32x1024xbf16> to vector<32x28xbf16>
      %slice3A_415 = vector.extract_strided_slice %get3A_23 {offsets = [0, 579], sizes = [32, 28], strides = [1, 1]} : vector<32x1024xbf16> to vector<32x28xbf16>
      %slice3A_416 = vector.extract_strided_slice %get3A_23 {offsets = [0, 611], sizes = [32, 28], strides = [1, 1]} : vector<32x1024xbf16> to vector<32x28xbf16>
      %slice3A_417 = vector.extract_strided_slice %get3A_23 {offsets = [0, 643], sizes = [32, 28], strides = [1, 1]} : vector<32x1024xbf16> to vector<32x28xbf16>
      %slice3A_418 = vector.extract_strided_slice %get3A_23 {offsets = [0, 675], sizes = [32, 28], strides = [1, 1]} : vector<32x1024xbf16> to vector<32x28xbf16>
      %slice3A_419 = vector.extract_strided_slice %get3A_23 {offsets = [0, 707], sizes = [32, 28], strides = [1, 1]} : vector<32x1024xbf16> to vector<32x28xbf16>
      %slice3A_420 = vector.extract_strided_slice %get3A_23 {offsets = [0, 739], sizes = [32, 28], strides = [1, 1]} : vector<32x1024xbf16> to vector<32x28xbf16>
      %slice3A_421 = vector.extract_strided_slice %get3A_23 {offsets = [0, 771], sizes = [32, 28], strides = [1, 1]} : vector<32x1024xbf16> to vector<32x28xbf16>
      %slice3A_422 = vector.extract_strided_slice %get3A_23 {offsets = [0, 803], sizes = [32, 28], strides = [1, 1]} : vector<32x1024xbf16> to vector<32x28xbf16>
      %slice3A_423 = vector.extract_strided_slice %get3A_23 {offsets = [0, 835], sizes = [32, 28], strides = [1, 1]} : vector<32x1024xbf16> to vector<32x28xbf16>
      %slice3A_424 = vector.extract_strided_slice %get3A_23 {offsets = [0, 867], sizes = [32, 28], strides = [1, 1]} : vector<32x1024xbf16> to vector<32x28xbf16>
      %slice3A_425 = vector.extract_strided_slice %get3A_23 {offsets = [0, 899], sizes = [32, 28], strides = [1, 1]} : vector<32x1024xbf16> to vector<32x28xbf16>
      %slice3A_426 = vector.extract_strided_slice %get3A_23 {offsets = [0, 931], sizes = [32, 28], strides = [1, 1]} : vector<32x1024xbf16> to vector<32x28xbf16>
      %concatenate3A_427 = tpu.concatenate %slice3A_399, %slice3A_400, %slice3A_401, %slice3A_402, %slice3A_403, %slice3A_404, %slice3A_405, %slice3A_406, %slice3A_407, %slice3A_408, %slice3A_409, %slice3A_410, %slice3A_411, %slice3A_412, %slice3A_413, %slice3A_414, %slice3A_415, %slice3A_416, %slice3A_417, %slice3A_418, %slice3A_419, %slice3A_420, %slice3A_421, %slice3A_422, %slice3A_423, %slice3A_424, %slice3A_425, %slice3A_426 in 1 : vector<32x28xbf16>, vector<32x28xbf16>, vector<32x28xbf16>, vector<32x28xbf16>, vector<32x28xbf16>, vector<32x28xbf16>, vector<32x28xbf16>, vector<32x28xbf16>, vector<32x28xbf16>, vector<32x28xbf16>, vector<32x28xbf16>, vector<32x28xbf16>, vector<32x28xbf16>, vector<32x28xbf16>, vector<32x28xbf16>, vector<32x28xbf16>, vector<32x28xbf16>, vector<32x28xbf16>, vector<32x28xbf16>, vector<32x28xbf16>, vector<32x28xbf16>, vector<32x28xbf16>, vector<32x28xbf16>, vector<32x28xbf16>, vector<32x28xbf16>, vector<32x28xbf16>, vector<32x28xbf16>, vector<32x28xbf16> -> vector<32x784xbf16>
      %slice3A_428 = vector.extract_strided_slice %get3A_23 {offsets = [0, 68], sizes = [32, 28], strides = [1, 1]} : vector<32x1024xbf16> to vector<32x28xbf16>
      %slice3A_429 = vector.extract_strided_slice %get3A_23 {offsets = [0, 100], sizes = [32, 28], strides = [1, 1]} : vector<32x1024xbf16> to vector<32x28xbf16>
      %slice3A_430 = vector.extract_strided_slice %get3A_23 {offsets = [0, 132], sizes = [32, 28], strides = [1, 1]} : vector<32x1024xbf16> to vector<32x28xbf16>
      %slice3A_431 = vector.extract_strided_slice %get3A_23 {offsets = [0, 164], sizes = [32, 28], strides = [1, 1]} : vector<32x1024xbf16> to vector<32x28xbf16>
      %slice3A_432 = vector.extract_strided_slice %get3A_23 {offsets = [0, 196], sizes = [32, 28], strides = [1, 1]} : vector<32x1024xbf16> to vector<32x28xbf16>
      %slice3A_433 = vector.extract_strided_slice %get3A_23 {offsets = [0, 228], sizes = [32, 28], strides = [1, 1]} : vector<32x1024xbf16> to vector<32x28xbf16>
      %slice3A_434 = vector.extract_strided_slice %get3A_23 {offsets = [0, 260], sizes = [32, 28], strides = [1, 1]} : vector<32x1024xbf16> to vector<32x28xbf16>
      %slice3A_435 = vector.extract_strided_slice %get3A_23 {offsets = [0, 292], sizes = [32, 28], strides = [1, 1]} : vector<32x1024xbf16> to vector<32x28xbf16>
      %slice3A_436 = vector.extract_strided_slice %get3A_23 {offsets = [0, 324], sizes = [32, 28], strides = [1, 1]} : vector<32x1024xbf16> to vector<32x28xbf16>
      %slice3A_437 = vector.extract_strided_slice %get3A_23 {offsets = [0, 356], sizes = [32, 28], strides = [1, 1]} : vector<32x1024xbf16> to vector<32x28xbf16>
      %slice3A_438 = vector.extract_strided_slice %get3A_23 {offsets = [0, 388], sizes = [32, 28], strides = [1, 1]} : vector<32x1024xbf16> to vector<32x28xbf16>
      %slice3A_439 = vector.extract_strided_slice %get3A_23 {offsets = [0, 420], sizes = [32, 28], strides = [1, 1]} : vector<32x1024xbf16> to vector<32x28xbf16>
      %slice3A_440 = vector.extract_strided_slice %get3A_23 {offsets = [0, 452], sizes = [32, 28], strides = [1, 1]} : vector<32x1024xbf16> to vector<32x28xbf16>
      %slice3A_441 = vector.extract_strided_slice %get3A_23 {offsets = [0, 484], sizes = [32, 28], strides = [1, 1]} : vector<32x1024xbf16> to vector<32x28xbf16>
      %slice3A_442 = vector.extract_strided_slice %get3A_23 {offsets = [0, 516], sizes = [32, 28], strides = [1, 1]} : vector<32x1024xbf16> to vector<32x28xbf16>
      %slice3A_443 = vector.extract_strided_slice %get3A_23 {offsets = [0, 548], sizes = [32, 28], strides = [1, 1]} : vector<32x1024xbf16> to vector<32x28xbf16>
      %slice3A_444 = vector.extract_strided_slice %get3A_23 {offsets = [0, 580], sizes = [32, 28], strides = [1, 1]} : vector<32x1024xbf16> to vector<32x28xbf16>
      %slice3A_445 = vector.extract_strided_slice %get3A_23 {offsets = [0, 612], sizes = [32, 28], strides = [1, 1]} : vector<32x1024xbf16> to vector<32x28xbf16>
      %slice3A_446 = vector.extract_strided_slice %get3A_23 {offsets = [0, 644], sizes = [32, 28], strides = [1, 1]} : vector<32x1024xbf16> to vector<32x28xbf16>
      %slice3A_447 = vector.extract_strided_slice %get3A_23 {offsets = [0, 676], sizes = [32, 28], strides = [1, 1]} : vector<32x1024xbf16> to vector<32x28xbf16>
      %slice3A_448 = vector.extract_strided_slice %get3A_23 {offsets = [0, 708], sizes = [32, 28], strides = [1, 1]} : vector<32x1024xbf16> to vector<32x28xbf16>
      %slice3A_449 = vector.extract_strided_slice %get3A_23 {offsets = [0, 740], sizes = [32, 28], strides = [1, 1]} : vector<32x1024xbf16> to vector<32x28xbf16>
      %slice3A_450 = vector.extract_strided_slice %get3A_23 {offsets = [0, 772], sizes = [32, 28], strides = [1, 1]} : vector<32x1024xbf16> to vector<32x28xbf16>
      %slice3A_451 = vector.extract_strided_slice %get3A_23 {offsets = [0, 804], sizes = [32, 28], strides = [1, 1]} : vector<32x1024xbf16> to vector<32x28xbf16>
      %slice3A_452 = vector.extract_strided_slice %get3A_23 {offsets = [0, 836], sizes = [32, 28], strides = [1, 1]} : vector<32x1024xbf16> to vector<32x28xbf16>
      %slice3A_453 = vector.extract_strided_slice %get3A_23 {offsets = [0, 868], sizes = [32, 28], strides = [1, 1]} : vector<32x1024xbf16> to vector<32x28xbf16>
      %slice3A_454 = vector.extract_strided_slice %get3A_23 {offsets = [0, 900], sizes = [32, 28], strides = [1, 1]} : vector<32x1024xbf16> to vector<32x28xbf16>
      %slice3A_455 = vector.extract_strided_slice %get3A_23 {offsets = [0, 932], sizes = [32, 28], strides = [1, 1]} : vector<32x1024xbf16> to vector<32x28xbf16>
      %concatenate3A_456 = tpu.concatenate %slice3A_428, %slice3A_429, %slice3A_430, %slice3A_431, %slice3A_432, %slice3A_433, %slice3A_434, %slice3A_435, %slice3A_436, %slice3A_437, %slice3A_438, %slice3A_439, %slice3A_440, %slice3A_441, %slice3A_442, %slice3A_443, %slice3A_444, %slice3A_445, %slice3A_446, %slice3A_447, %slice3A_448, %slice3A_449, %slice3A_450, %slice3A_451, %slice3A_452, %slice3A_453, %slice3A_454, %slice3A_455 in 1 : vector<32x28xbf16>, vector<32x28xbf16>, vector<32x28xbf16>, vector<32x28xbf16>, vector<32x28xbf16>, vector<32x28xbf16>, vector<32x28xbf16>, vector<32x28xbf16>, vector<32x28xbf16>, vector<32x28xbf16>, vector<32x28xbf16>, vector<32x28xbf16>, vector<32x28xbf16>, vector<32x28xbf16>, vector<32x28xbf16>, vector<32x28xbf16>, vector<32x28xbf16>, vector<32x28xbf16>, vector<32x28xbf16>, vector<32x28xbf16>, vector<32x28xbf16>, vector<32x28xbf16>, vector<32x28xbf16>, vector<32x28xbf16>, vector<32x28xbf16>, vector<32x28xbf16>, vector<32x28xbf16>, vector<32x28xbf16> -> vector<32x784xbf16>
      %slice3A_457 = vector.extract_strided_slice %get3A_23 {offsets = [0, 96], sizes = [32, 28], strides = [1, 1]} : vector<32x1024xbf16> to vector<32x28xbf16>
      %slice3A_458 = vector.extract_strided_slice %get3A_23 {offsets = [0, 128], sizes = [32, 28], strides = [1, 1]} : vector<32x1024xbf16> to vector<32x28xbf16>
      %slice3A_459 = vector.extract_strided_slice %get3A_23 {offsets = [0, 160], sizes = [32, 28], strides = [1, 1]} : vector<32x1024xbf16> to vector<32x28xbf16>
      %slice3A_460 = vector.extract_strided_slice %get3A_23 {offsets = [0, 192], sizes = [32, 28], strides = [1, 1]} : vector<32x1024xbf16> to vector<32x28xbf16>
      %slice3A_461 = vector.extract_strided_slice %get3A_23 {offsets = [0, 224], sizes = [32, 28], strides = [1, 1]} : vector<32x1024xbf16> to vector<32x28xbf16>
      %slice3A_462 = vector.extract_strided_slice %get3A_23 {offsets = [0, 256], sizes = [32, 28], strides = [1, 1]} : vector<32x1024xbf16> to vector<32x28xbf16>
      %slice3A_463 = vector.extract_strided_slice %get3A_23 {offsets = [0, 288], sizes = [32, 28], strides = [1, 1]} : vector<32x1024xbf16> to vector<32x28xbf16>
      %slice3A_464 = vector.extract_strided_slice %get3A_23 {offsets = [0, 320], sizes = [32, 28], strides = [1, 1]} : vector<32x1024xbf16> to vector<32x28xbf16>
      %slice3A_465 = vector.extract_strided_slice %get3A_23 {offsets = [0, 352], sizes = [32, 28], strides = [1, 1]} : vector<32x1024xbf16> to vector<32x28xbf16>
      %slice3A_466 = vector.extract_strided_slice %get3A_23 {offsets = [0, 384], sizes = [32, 28], strides = [1, 1]} : vector<32x1024xbf16> to vector<32x28xbf16>
      %slice3A_467 = vector.extract_strided_slice %get3A_23 {offsets = [0, 416], sizes = [32, 28], strides = [1, 1]} : vector<32x1024xbf16> to vector<32x28xbf16>
      %slice3A_468 = vector.extract_strided_slice %get3A_23 {offsets = [0, 448], sizes = [32, 28], strides = [1, 1]} : vector<32x1024xbf16> to vector<32x28xbf16>
      %slice3A_469 = vector.extract_strided_slice %get3A_23 {offsets = [0, 480], sizes = [32, 28], strides = [1, 1]} : vector<32x1024xbf16> to vector<32x28xbf16>
      %slice3A_470 = vector.extract_strided_slice %get3A_23 {offsets = [0, 512], sizes = [32, 28], strides = [1, 1]} : vector<32x1024xbf16> to vector<32x28xbf16>
      %slice3A_471 = vector.extract_strided_slice %get3A_23 {offsets = [0, 544], sizes = [32, 28], strides = [1, 1]} : vector<32x1024xbf16> to vector<32x28xbf16>
      %slice3A_472 = vector.extract_strided_slice %get3A_23 {offsets = [0, 576], sizes = [32, 28], strides = [1, 1]} : vector<32x1024xbf16> to vector<32x28xbf16>
      %slice3A_473 = vector.extract_strided_slice %get3A_23 {offsets = [0, 608], sizes = [32, 28], strides = [1, 1]} : vector<32x1024xbf16> to vector<32x28xbf16>
      %slice3A_474 = vector.extract_strided_slice %get3A_23 {offsets = [0, 640], sizes = [32, 28], strides = [1, 1]} : vector<32x1024xbf16> to vector<32x28xbf16>
      %slice3A_475 = vector.extract_strided_slice %get3A_23 {offsets = [0, 672], sizes = [32, 28], strides = [1, 1]} : vector<32x1024xbf16> to vector<32x28xbf16>
      %slice3A_476 = vector.extract_strided_slice %get3A_23 {offsets = [0, 704], sizes = [32, 28], strides = [1, 1]} : vector<32x1024xbf16> to vector<32x28xbf16>
      %slice3A_477 = vector.extract_strided_slice %get3A_23 {offsets = [0, 736], sizes = [32, 28], strides = [1, 1]} : vector<32x1024xbf16> to vector<32x28xbf16>
      %slice3A_478 = vector.extract_strided_slice %get3A_23 {offsets = [0, 768], sizes = [32, 28], strides = [1, 1]} : vector<32x1024xbf16> to vector<32x28xbf16>
      %slice3A_479 = vector.extract_strided_slice %get3A_23 {offsets = [0, 800], sizes = [32, 28], strides = [1, 1]} : vector<32x1024xbf16> to vector<32x28xbf16>
      %slice3A_480 = vector.extract_strided_slice %get3A_23 {offsets = [0, 832], sizes = [32, 28], strides = [1, 1]} : vector<32x1024xbf16> to vector<32x28xbf16>
      %slice3A_481 = vector.extract_strided_slice %get3A_23 {offsets = [0, 864], sizes = [32, 28], strides = [1, 1]} : vector<32x1024xbf16> to vector<32x28xbf16>
      %slice3A_482 = vector.extract_strided_slice %get3A_23 {offsets = [0, 896], sizes = [32, 28], strides = [1, 1]} : vector<32x1024xbf16> to vector<32x28xbf16>
      %slice3A_483 = vector.extract_strided_slice %get3A_23 {offsets = [0, 928], sizes = [32, 28], strides = [1, 1]} : vector<32x1024xbf16> to vector<32x28xbf16>
      %slice3A_484 = vector.extract_strided_slice %get3A_23 {offsets = [0, 960], sizes = [32, 28], strides = [1, 1]} : vector<32x1024xbf16> to vector<32x28xbf16>
      %concatenate3A_485 = tpu.concatenate %slice3A_457, %slice3A_458, %slice3A_459, %slice3A_460, %slice3A_461, %slice3A_462, %slice3A_463, %slice3A_464, %slice3A_465, %slice3A_466, %slice3A_467, %slice3A_468, %slice3A_469, %slice3A_470, %slice3A_471, %slice3A_472, %slice3A_473, %slice3A_474, %slice3A_475, %slice3A_476, %slice3A_477, %slice3A_478, %slice3A_479, %slice3A_480, %slice3A_481, %slice3A_482, %slice3A_483, %slice3A_484 in 1 : vector<32x28xbf16>, vector<32x28xbf16>, vector<32x28xbf16>, vector<32x28xbf16>, vector<32x28xbf16>, vector<32x28xbf16>, vector<32x28xbf16>, vector<32x28xbf16>, vector<32x28xbf16>, vector<32x28xbf16>, vector<32x28xbf16>, vector<32x28xbf16>, vector<32x28xbf16>, vector<32x28xbf16>, vector<32x28xbf16>, vector<32x28xbf16>, vector<32x28xbf16>, vector<32x28xbf16>, vector<32x28xbf16>, vector<32x28xbf16>, vector<32x28xbf16>, vector<32x28xbf16>, vector<32x28xbf16>, vector<32x28xbf16>, vector<32x28xbf16>, vector<32x28xbf16>, vector<32x28xbf16>, vector<32x28xbf16> -> vector<32x784xbf16>
      %slice3A_486 = vector.extract_strided_slice %get3A_23 {offsets = [0, 97], sizes = [32, 28], strides = [1, 1]} : vector<32x1024xbf16> to vector<32x28xbf16>
      %slice3A_487 = vector.extract_strided_slice %get3A_23 {offsets = [0, 129], sizes = [32, 28], strides = [1, 1]} : vector<32x1024xbf16> to vector<32x28xbf16>
      %slice3A_488 = vector.extract_strided_slice %get3A_23 {offsets = [0, 161], sizes = [32, 28], strides = [1, 1]} : vector<32x1024xbf16> to vector<32x28xbf16>
      %slice3A_489 = vector.extract_strided_slice %get3A_23 {offsets = [0, 193], sizes = [32, 28], strides = [1, 1]} : vector<32x1024xbf16> to vector<32x28xbf16>
      %slice3A_490 = vector.extract_strided_slice %get3A_23 {offsets = [0, 225], sizes = [32, 28], strides = [1, 1]} : vector<32x1024xbf16> to vector<32x28xbf16>
      %slice3A_491 = vector.extract_strided_slice %get3A_23 {offsets = [0, 257], sizes = [32, 28], strides = [1, 1]} : vector<32x1024xbf16> to vector<32x28xbf16>
      %slice3A_492 = vector.extract_strided_slice %get3A_23 {offsets = [0, 289], sizes = [32, 28], strides = [1, 1]} : vector<32x1024xbf16> to vector<32x28xbf16>
      %slice3A_493 = vector.extract_strided_slice %get3A_23 {offsets = [0, 321], sizes = [32, 28], strides = [1, 1]} : vector<32x1024xbf16> to vector<32x28xbf16>
      %slice3A_494 = vector.extract_strided_slice %get3A_23 {offsets = [0, 353], sizes = [32, 28], strides = [1, 1]} : vector<32x1024xbf16> to vector<32x28xbf16>
      %slice3A_495 = vector.extract_strided_slice %get3A_23 {offsets = [0, 385], sizes = [32, 28], strides = [1, 1]} : vector<32x1024xbf16> to vector<32x28xbf16>
      %slice3A_496 = vector.extract_strided_slice %get3A_23 {offsets = [0, 417], sizes = [32, 28], strides = [1, 1]} : vector<32x1024xbf16> to vector<32x28xbf16>
      %slice3A_497 = vector.extract_strided_slice %get3A_23 {offsets = [0, 449], sizes = [32, 28], strides = [1, 1]} : vector<32x1024xbf16> to vector<32x28xbf16>
      %slice3A_498 = vector.extract_strided_slice %get3A_23 {offsets = [0, 481], sizes = [32, 28], strides = [1, 1]} : vector<32x1024xbf16> to vector<32x28xbf16>
      %slice3A_499 = vector.extract_strided_slice %get3A_23 {offsets = [0, 513], sizes = [32, 28], strides = [1, 1]} : vector<32x1024xbf16> to vector<32x28xbf16>
      %slice3A_500 = vector.extract_strided_slice %get3A_23 {offsets = [0, 545], sizes = [32, 28], strides = [1, 1]} : vector<32x1024xbf16> to vector<32x28xbf16>
      %slice3A_501 = vector.extract_strided_slice %get3A_23 {offsets = [0, 577], sizes = [32, 28], strides = [1, 1]} : vector<32x1024xbf16> to vector<32x28xbf16>
      %slice3A_502 = vector.extract_strided_slice %get3A_23 {offsets = [0, 609], sizes = [32, 28], strides = [1, 1]} : vector<32x1024xbf16> to vector<32x28xbf16>
      %slice3A_503 = vector.extract_strided_slice %get3A_23 {offsets = [0, 641], sizes = [32, 28], strides = [1, 1]} : vector<32x1024xbf16> to vector<32x28xbf16>
      %slice3A_504 = vector.extract_strided_slice %get3A_23 {offsets = [0, 673], sizes = [32, 28], strides = [1, 1]} : vector<32x1024xbf16> to vector<32x28xbf16>
      %slice3A_505 = vector.extract_strided_slice %get3A_23 {offsets = [0, 705], sizes = [32, 28], strides = [1, 1]} : vector<32x1024xbf16> to vector<32x28xbf16>
      %slice3A_506 = vector.extract_strided_slice %get3A_23 {offsets = [0, 737], sizes = [32, 28], strides = [1, 1]} : vector<32x1024xbf16> to vector<32x28xbf16>
      %slice3A_507 = vector.extract_strided_slice %get3A_23 {offsets = [0, 769], sizes = [32, 28], strides = [1, 1]} : vector<32x1024xbf16> to vector<32x28xbf16>
      %slice3A_508 = vector.extract_strided_slice %get3A_23 {offsets = [0, 801], sizes = [32, 28], strides = [1, 1]} : vector<32x1024xbf16> to vector<32x28xbf16>
      %slice3A_509 = vector.extract_strided_slice %get3A_23 {offsets = [0, 833], sizes = [32, 28], strides = [1, 1]} : vector<32x1024xbf16> to vector<32x28xbf16>
      %slice3A_510 = vector.extract_strided_slice %get3A_23 {offsets = [0, 865], sizes = [32, 28], strides = [1, 1]} : vector<32x1024xbf16> to vector<32x28xbf16>
      %slice3A_511 = vector.extract_strided_slice %get3A_23 {offsets = [0, 897], sizes = [32, 28], strides = [1, 1]} : vector<32x1024xbf16> to vector<32x28xbf16>
      %slice3A_512 = vector.extract_strided_slice %get3A_23 {offsets = [0, 929], sizes = [32, 28], strides = [1, 1]} : vector<32x1024xbf16> to vector<32x28xbf16>
      %slice3A_513 = vector.extract_strided_slice %get3A_23 {offsets = [0, 961], sizes = [32, 28], strides = [1, 1]} : vector<32x1024xbf16> to vector<32x28xbf16>
      %concatenate3A_514 = tpu.concatenate %slice3A_486, %slice3A_487, %slice3A_488, %slice3A_489, %slice3A_490, %slice3A_491, %slice3A_492, %slice3A_493, %slice3A_494, %slice3A_495, %slice3A_496, %slice3A_497, %slice3A_498, %slice3A_499, %slice3A_500, %slice3A_501, %slice3A_502, %slice3A_503, %slice3A_504, %slice3A_505, %slice3A_506, %slice3A_507, %slice3A_508, %slice3A_509, %slice3A_510, %slice3A_511, %slice3A_512, %slice3A_513 in 1 : vector<32x28xbf16>, vector<32x28xbf16>, vector<32x28xbf16>, vector<32x28xbf16>, vector<32x28xbf16>, vector<32x28xbf16>, vector<32x28xbf16>, vector<32x28xbf16>, vector<32x28xbf16>, vector<32x28xbf16>, vector<32x28xbf16>, vector<32x28xbf16>, vector<32x28xbf16>, vector<32x28xbf16>, vector<32x28xbf16>, vector<32x28xbf16>, vector<32x28xbf16>, vector<32x28xbf16>, vector<32x28xbf16>, vector<32x28xbf16>, vector<32x28xbf16>, vector<32x28xbf16>, vector<32x28xbf16>, vector<32x28xbf16>, vector<32x28xbf16>, vector<32x28xbf16>, vector<32x28xbf16>, vector<32x28xbf16> -> vector<32x784xbf16>
      %slice3A_515 = vector.extract_strided_slice %get3A_23 {offsets = [0, 98], sizes = [32, 28], strides = [1, 1]} : vector<32x1024xbf16> to vector<32x28xbf16>
      %slice3A_516 = vector.extract_strided_slice %get3A_23 {offsets = [0, 130], sizes = [32, 28], strides = [1, 1]} : vector<32x1024xbf16> to vector<32x28xbf16>
      %slice3A_517 = vector.extract_strided_slice %get3A_23 {offsets = [0, 162], sizes = [32, 28], strides = [1, 1]} : vector<32x1024xbf16> to vector<32x28xbf16>
      %slice3A_518 = vector.extract_strided_slice %get3A_23 {offsets = [0, 194], sizes = [32, 28], strides = [1, 1]} : vector<32x1024xbf16> to vector<32x28xbf16>
      %slice3A_519 = vector.extract_strided_slice %get3A_23 {offsets = [0, 226], sizes = [32, 28], strides = [1, 1]} : vector<32x1024xbf16> to vector<32x28xbf16>
      %slice3A_520 = vector.extract_strided_slice %get3A_23 {offsets = [0, 258], sizes = [32, 28], strides = [1, 1]} : vector<32x1024xbf16> to vector<32x28xbf16>
      %slice3A_521 = vector.extract_strided_slice %get3A_23 {offsets = [0, 290], sizes = [32, 28], strides = [1, 1]} : vector<32x1024xbf16> to vector<32x28xbf16>
      %slice3A_522 = vector.extract_strided_slice %get3A_23 {offsets = [0, 322], sizes = [32, 28], strides = [1, 1]} : vector<32x1024xbf16> to vector<32x28xbf16>
      %slice3A_523 = vector.extract_strided_slice %get3A_23 {offsets = [0, 354], sizes = [32, 28], strides = [1, 1]} : vector<32x1024xbf16> to vector<32x28xbf16>
      %slice3A_524 = vector.extract_strided_slice %get3A_23 {offsets = [0, 386], sizes = [32, 28], strides = [1, 1]} : vector<32x1024xbf16> to vector<32x28xbf16>
      %slice3A_525 = vector.extract_strided_slice %get3A_23 {offsets = [0, 418], sizes = [32, 28], strides = [1, 1]} : vector<32x1024xbf16> to vector<32x28xbf16>
      %slice3A_526 = vector.extract_strided_slice %get3A_23 {offsets = [0, 450], sizes = [32, 28], strides = [1, 1]} : vector<32x1024xbf16> to vector<32x28xbf16>
      %slice3A_527 = vector.extract_strided_slice %get3A_23 {offsets = [0, 482], sizes = [32, 28], strides = [1, 1]} : vector<32x1024xbf16> to vector<32x28xbf16>
      %slice3A_528 = vector.extract_strided_slice %get3A_23 {offsets = [0, 514], sizes = [32, 28], strides = [1, 1]} : vector<32x1024xbf16> to vector<32x28xbf16>
      %slice3A_529 = vector.extract_strided_slice %get3A_23 {offsets = [0, 546], sizes = [32, 28], strides = [1, 1]} : vector<32x1024xbf16> to vector<32x28xbf16>
      %slice3A_530 = vector.extract_strided_slice %get3A_23 {offsets = [0, 578], sizes = [32, 28], strides = [1, 1]} : vector<32x1024xbf16> to vector<32x28xbf16>
      %slice3A_531 = vector.extract_strided_slice %get3A_23 {offsets = [0, 610], sizes = [32, 28], strides = [1, 1]} : vector<32x1024xbf16> to vector<32x28xbf16>
      %slice3A_532 = vector.extract_strided_slice %get3A_23 {offsets = [0, 642], sizes = [32, 28], strides = [1, 1]} : vector<32x1024xbf16> to vector<32x28xbf16>
      %slice3A_533 = vector.extract_strided_slice %get3A_23 {offsets = [0, 674], sizes = [32, 28], strides = [1, 1]} : vector<32x1024xbf16> to vector<32x28xbf16>
      %slice3A_534 = vector.extract_strided_slice %get3A_23 {offsets = [0, 706], sizes = [32, 28], strides = [1, 1]} : vector<32x1024xbf16> to vector<32x28xbf16>
      %slice3A_535 = vector.extract_strided_slice %get3A_23 {offsets = [0, 738], sizes = [32, 28], strides = [1, 1]} : vector<32x1024xbf16> to vector<32x28xbf16>
      %slice3A_536 = vector.extract_strided_slice %get3A_23 {offsets = [0, 770], sizes = [32, 28], strides = [1, 1]} : vector<32x1024xbf16> to vector<32x28xbf16>
      %slice3A_537 = vector.extract_strided_slice %get3A_23 {offsets = [0, 802], sizes = [32, 28], strides = [1, 1]} : vector<32x1024xbf16> to vector<32x28xbf16>
      %slice3A_538 = vector.extract_strided_slice %get3A_23 {offsets = [0, 834], sizes = [32, 28], strides = [1, 1]} : vector<32x1024xbf16> to vector<32x28xbf16>
      %slice3A_539 = vector.extract_strided_slice %get3A_23 {offsets = [0, 866], sizes = [32, 28], strides = [1, 1]} : vector<32x1024xbf16> to vector<32x28xbf16>
      %slice3A_540 = vector.extract_strided_slice %get3A_23 {offsets = [0, 898], sizes = [32, 28], strides = [1, 1]} : vector<32x1024xbf16> to vector<32x28xbf16>
      %slice3A_541 = vector.extract_strided_slice %get3A_23 {offsets = [0, 930], sizes = [32, 28], strides = [1, 1]} : vector<32x1024xbf16> to vector<32x28xbf16>
      %slice3A_542 = vector.extract_strided_slice %get3A_23 {offsets = [0, 962], sizes = [32, 28], strides = [1, 1]} : vector<32x1024xbf16> to vector<32x28xbf16>
      %concatenate3A_543 = tpu.concatenate %slice3A_515, %slice3A_516, %slice3A_517, %slice3A_518, %slice3A_519, %slice3A_520, %slice3A_521, %slice3A_522, %slice3A_523, %slice3A_524, %slice3A_525, %slice3A_526, %slice3A_527, %slice3A_528, %slice3A_529, %slice3A_530, %slice3A_531, %slice3A_532, %slice3A_533, %slice3A_534, %slice3A_535, %slice3A_536, %slice3A_537, %slice3A_538, %slice3A_539, %slice3A_540, %slice3A_541, %slice3A_542 in 1 : vector<32x28xbf16>, vector<32x28xbf16>, vector<32x28xbf16>, vector<32x28xbf16>, vector<32x28xbf16>, vector<32x28xbf16>, vector<32x28xbf16>, vector<32x28xbf16>, vector<32x28xbf16>, vector<32x28xbf16>, vector<32x28xbf16>, vector<32x28xbf16>, vector<32x28xbf16>, vector<32x28xbf16>, vector<32x28xbf16>, vector<32x28xbf16>, vector<32x28xbf16>, vector<32x28xbf16>, vector<32x28xbf16>, vector<32x28xbf16>, vector<32x28xbf16>, vector<32x28xbf16>, vector<32x28xbf16>, vector<32x28xbf16>, vector<32x28xbf16>, vector<32x28xbf16>, vector<32x28xbf16>, vector<32x28xbf16> -> vector<32x784xbf16>
      %slice3A_544 = vector.extract_strided_slice %get3A_23 {offsets = [0, 99], sizes = [32, 28], strides = [1, 1]} : vector<32x1024xbf16> to vector<32x28xbf16>
      %slice3A_545 = vector.extract_strided_slice %get3A_23 {offsets = [0, 131], sizes = [32, 28], strides = [1, 1]} : vector<32x1024xbf16> to vector<32x28xbf16>
      %slice3A_546 = vector.extract_strided_slice %get3A_23 {offsets = [0, 163], sizes = [32, 28], strides = [1, 1]} : vector<32x1024xbf16> to vector<32x28xbf16>
      %slice3A_547 = vector.extract_strided_slice %get3A_23 {offsets = [0, 195], sizes = [32, 28], strides = [1, 1]} : vector<32x1024xbf16> to vector<32x28xbf16>
      %slice3A_548 = vector.extract_strided_slice %get3A_23 {offsets = [0, 227], sizes = [32, 28], strides = [1, 1]} : vector<32x1024xbf16> to vector<32x28xbf16>
      %slice3A_549 = vector.extract_strided_slice %get3A_23 {offsets = [0, 259], sizes = [32, 28], strides = [1, 1]} : vector<32x1024xbf16> to vector<32x28xbf16>
      %slice3A_550 = vector.extract_strided_slice %get3A_23 {offsets = [0, 291], sizes = [32, 28], strides = [1, 1]} : vector<32x1024xbf16> to vector<32x28xbf16>
      %slice3A_551 = vector.extract_strided_slice %get3A_23 {offsets = [0, 323], sizes = [32, 28], strides = [1, 1]} : vector<32x1024xbf16> to vector<32x28xbf16>
      %slice3A_552 = vector.extract_strided_slice %get3A_23 {offsets = [0, 355], sizes = [32, 28], strides = [1, 1]} : vector<32x1024xbf16> to vector<32x28xbf16>
      %slice3A_553 = vector.extract_strided_slice %get3A_23 {offsets = [0, 387], sizes = [32, 28], strides = [1, 1]} : vector<32x1024xbf16> to vector<32x28xbf16>
      %slice3A_554 = vector.extract_strided_slice %get3A_23 {offsets = [0, 419], sizes = [32, 28], strides = [1, 1]} : vector<32x1024xbf16> to vector<32x28xbf16>
      %slice3A_555 = vector.extract_strided_slice %get3A_23 {offsets = [0, 451], sizes = [32, 28], strides = [1, 1]} : vector<32x1024xbf16> to vector<32x28xbf16>
      %slice3A_556 = vector.extract_strided_slice %get3A_23 {offsets = [0, 483], sizes = [32, 28], strides = [1, 1]} : vector<32x1024xbf16> to vector<32x28xbf16>
      %slice3A_557 = vector.extract_strided_slice %get3A_23 {offsets = [0, 515], sizes = [32, 28], strides = [1, 1]} : vector<32x1024xbf16> to vector<32x28xbf16>
      %slice3A_558 = vector.extract_strided_slice %get3A_23 {offsets = [0, 547], sizes = [32, 28], strides = [1, 1]} : vector<32x1024xbf16> to vector<32x28xbf16>
      %slice3A_559 = vector.extract_strided_slice %get3A_23 {offsets = [0, 579], sizes = [32, 28], strides = [1, 1]} : vector<32x1024xbf16> to vector<32x28xbf16>
      %slice3A_560 = vector.extract_strided_slice %get3A_23 {offsets = [0, 611], sizes = [32, 28], strides = [1, 1]} : vector<32x1024xbf16> to vector<32x28xbf16>
      %slice3A_561 = vector.extract_strided_slice %get3A_23 {offsets = [0, 643], sizes = [32, 28], strides = [1, 1]} : vector<32x1024xbf16> to vector<32x28xbf16>
      %slice3A_562 = vector.extract_strided_slice %get3A_23 {offsets = [0, 675], sizes = [32, 28], strides = [1, 1]} : vector<32x1024xbf16> to vector<32x28xbf16>
      %slice3A_563 = vector.extract_strided_slice %get3A_23 {offsets = [0, 707], sizes = [32, 28], strides = [1, 1]} : vector<32x1024xbf16> to vector<32x28xbf16>
      %slice3A_564 = vector.extract_strided_slice %get3A_23 {offsets = [0, 739], sizes = [32, 28], strides = [1, 1]} : vector<32x1024xbf16> to vector<32x28xbf16>
      %slice3A_565 = vector.extract_strided_slice %get3A_23 {offsets = [0, 771], sizes = [32, 28], strides = [1, 1]} : vector<32x1024xbf16> to vector<32x28xbf16>
      %slice3A_566 = vector.extract_strided_slice %get3A_23 {offsets = [0, 803], sizes = [32, 28], strides = [1, 1]} : vector<32x1024xbf16> to vector<32x28xbf16>
      %slice3A_567 = vector.extract_strided_slice %get3A_23 {offsets = [0, 835], sizes = [32, 28], strides = [1, 1]} : vector<32x1024xbf16> to vector<32x28xbf16>
      %slice3A_568 = vector.extract_strided_slice %get3A_23 {offsets = [0, 867], sizes = [32, 28], strides = [1, 1]} : vector<32x1024xbf16> to vector<32x28xbf16>
      %slice3A_569 = vector.extract_strided_slice %get3A_23 {offsets = [0, 899], sizes = [32, 28], strides = [1, 1]} : vector<32x1024xbf16> to vector<32x28xbf16>
      %slice3A_570 = vector.extract_strided_slice %get3A_23 {offsets = [0, 931], sizes = [32, 28], strides = [1, 1]} : vector<32x1024xbf16> to vector<32x28xbf16>
      %slice3A_571 = vector.extract_strided_slice %get3A_23 {offsets = [0, 963], sizes = [32, 28], strides = [1, 1]} : vector<32x1024xbf16> to vector<32x28xbf16>
      %concatenate3A_572 = tpu.concatenate %slice3A_544, %slice3A_545, %slice3A_546, %slice3A_547, %slice3A_548, %slice3A_549, %slice3A_550, %slice3A_551, %slice3A_552, %slice3A_553, %slice3A_554, %slice3A_555, %slice3A_556, %slice3A_557, %slice3A_558, %slice3A_559, %slice3A_560, %slice3A_561, %slice3A_562, %slice3A_563, %slice3A_564, %slice3A_565, %slice3A_566, %slice3A_567, %slice3A_568, %slice3A_569, %slice3A_570, %slice3A_571 in 1 : vector<32x28xbf16>, vector<32x28xbf16>, vector<32x28xbf16>, vector<32x28xbf16>, vector<32x28xbf16>, vector<32x28xbf16>, vector<32x28xbf16>, vector<32x28xbf16>, vector<32x28xbf16>, vector<32x28xbf16>, vector<32x28xbf16>, vector<32x28xbf16>, vector<32x28xbf16>, vector<32x28xbf16>, vector<32x28xbf16>, vector<32x28xbf16>, vector<32x28xbf16>, vector<32x28xbf16>, vector<32x28xbf16>, vector<32x28xbf16>, vector<32x28xbf16>, vector<32x28xbf16>, vector<32x28xbf16>, vector<32x28xbf16>, vector<32x28xbf16>, vector<32x28xbf16>, vector<32x28xbf16>, vector<32x28xbf16> -> vector<32x784xbf16>
      %slice3A_573 = vector.extract_strided_slice %get3A_23 {offsets = [0, 100], sizes = [32, 28], strides = [1, 1]} : vector<32x1024xbf16> to vector<32x28xbf16>
      %slice3A_574 = vector.extract_strided_slice %get3A_23 {offsets = [0, 132], sizes = [32, 28], strides = [1, 1]} : vector<32x1024xbf16> to vector<32x28xbf16>
      %slice3A_575 = vector.extract_strided_slice %get3A_23 {offsets = [0, 164], sizes = [32, 28], strides = [1, 1]} : vector<32x1024xbf16> to vector<32x28xbf16>
      %slice3A_576 = vector.extract_strided_slice %get3A_23 {offsets = [0, 196], sizes = [32, 28], strides = [1, 1]} : vector<32x1024xbf16> to vector<32x28xbf16>
      %slice3A_577 = vector.extract_strided_slice %get3A_23 {offsets = [0, 228], sizes = [32, 28], strides = [1, 1]} : vector<32x1024xbf16> to vector<32x28xbf16>
      %slice3A_578 = vector.extract_strided_slice %get3A_23 {offsets = [0, 260], sizes = [32, 28], strides = [1, 1]} : vector<32x1024xbf16> to vector<32x28xbf16>
      %slice3A_579 = vector.extract_strided_slice %get3A_23 {offsets = [0, 292], sizes = [32, 28], strides = [1, 1]} : vector<32x1024xbf16> to vector<32x28xbf16>
      %slice3A_580 = vector.extract_strided_slice %get3A_23 {offsets = [0, 324], sizes = [32, 28], strides = [1, 1]} : vector<32x1024xbf16> to vector<32x28xbf16>
      %slice3A_581 = vector.extract_strided_slice %get3A_23 {offsets = [0, 356], sizes = [32, 28], strides = [1, 1]} : vector<32x1024xbf16> to vector<32x28xbf16>
      %slice3A_582 = vector.extract_strided_slice %get3A_23 {offsets = [0, 388], sizes = [32, 28], strides = [1, 1]} : vector<32x1024xbf16> to vector<32x28xbf16>
      %slice3A_583 = vector.extract_strided_slice %get3A_23 {offsets = [0, 420], sizes = [32, 28], strides = [1, 1]} : vector<32x1024xbf16> to vector<32x28xbf16>
      %slice3A_584 = vector.extract_strided_slice %get3A_23 {offsets = [0, 452], sizes = [32, 28], strides = [1, 1]} : vector<32x1024xbf16> to vector<32x28xbf16>
      %slice3A_585 = vector.extract_strided_slice %get3A_23 {offsets = [0, 484], sizes = [32, 28], strides = [1, 1]} : vector<32x1024xbf16> to vector<32x28xbf16>
      %slice3A_586 = vector.extract_strided_slice %get3A_23 {offsets = [0, 516], sizes = [32, 28], strides = [1, 1]} : vector<32x1024xbf16> to vector<32x28xbf16>
      %slice3A_587 = vector.extract_strided_slice %get3A_23 {offsets = [0, 548], sizes = [32, 28], strides = [1, 1]} : vector<32x1024xbf16> to vector<32x28xbf16>
      %slice3A_588 = vector.extract_strided_slice %get3A_23 {offsets = [0, 580], sizes = [32, 28], strides = [1, 1]} : vector<32x1024xbf16> to vector<32x28xbf16>
      %slice3A_589 = vector.extract_strided_slice %get3A_23 {offsets = [0, 612], sizes = [32, 28], strides = [1, 1]} : vector<32x1024xbf16> to vector<32x28xbf16>
      %slice3A_590 = vector.extract_strided_slice %get3A_23 {offsets = [0, 644], sizes = [32, 28], strides = [1, 1]} : vector<32x1024xbf16> to vector<32x28xbf16>
      %slice3A_591 = vector.extract_strided_slice %get3A_23 {offsets = [0, 676], sizes = [32, 28], strides = [1, 1]} : vector<32x1024xbf16> to vector<32x28xbf16>
      %slice3A_592 = vector.extract_strided_slice %get3A_23 {offsets = [0, 708], sizes = [32, 28], strides = [1, 1]} : vector<32x1024xbf16> to vector<32x28xbf16>
      %slice3A_593 = vector.extract_strided_slice %get3A_23 {offsets = [0, 740], sizes = [32, 28], strides = [1, 1]} : vector<32x1024xbf16> to vector<32x28xbf16>
      %slice3A_594 = vector.extract_strided_slice %get3A_23 {offsets = [0, 772], sizes = [32, 28], strides = [1, 1]} : vector<32x1024xbf16> to vector<32x28xbf16>
      %slice3A_595 = vector.extract_strided_slice %get3A_23 {offsets = [0, 804], sizes = [32, 28], strides = [1, 1]} : vector<32x1024xbf16> to vector<32x28xbf16>
      %slice3A_596 = vector.extract_strided_slice %get3A_23 {offsets = [0, 836], sizes = [32, 28], strides = [1, 1]} : vector<32x1024xbf16> to vector<32x28xbf16>
      %slice3A_597 = vector.extract_strided_slice %get3A_23 {offsets = [0, 868], sizes = [32, 28], strides = [1, 1]} : vector<32x1024xbf16> to vector<32x28xbf16>
      %slice3A_598 = vector.extract_strided_slice %get3A_23 {offsets = [0, 900], sizes = [32, 28], strides = [1, 1]} : vector<32x1024xbf16> to vector<32x28xbf16>
      %slice3A_599 = vector.extract_strided_slice %get3A_23 {offsets = [0, 932], sizes = [32, 28], strides = [1, 1]} : vector<32x1024xbf16> to vector<32x28xbf16>
      %slice3A_600 = vector.extract_strided_slice %get3A_23 {offsets = [0, 964], sizes = [32, 28], strides = [1, 1]} : vector<32x1024xbf16> to vector<32x28xbf16>
      %concatenate3A_601 = tpu.concatenate %slice3A_573, %slice3A_574, %slice3A_575, %slice3A_576, %slice3A_577, %slice3A_578, %slice3A_579, %slice3A_580, %slice3A_581, %slice3A_582, %slice3A_583, %slice3A_584, %slice3A_585, %slice3A_586, %slice3A_587, %slice3A_588, %slice3A_589, %slice3A_590, %slice3A_591, %slice3A_592, %slice3A_593, %slice3A_594, %slice3A_595, %slice3A_596, %slice3A_597, %slice3A_598, %slice3A_599, %slice3A_600 in 1 : vector<32x28xbf16>, vector<32x28xbf16>, vector<32x28xbf16>, vector<32x28xbf16>, vector<32x28xbf16>, vector<32x28xbf16>, vector<32x28xbf16>, vector<32x28xbf16>, vector<32x28xbf16>, vector<32x28xbf16>, vector<32x28xbf16>, vector<32x28xbf16>, vector<32x28xbf16>, vector<32x28xbf16>, vector<32x28xbf16>, vector<32x28xbf16>, vector<32x28xbf16>, vector<32x28xbf16>, vector<32x28xbf16>, vector<32x28xbf16>, vector<32x28xbf16>, vector<32x28xbf16>, vector<32x28xbf16>, vector<32x28xbf16>, vector<32x28xbf16>, vector<32x28xbf16>, vector<32x28xbf16>, vector<32x28xbf16> -> vector<32x784xbf16>
      %slice3A_602 = vector.extract_strided_slice %get3A_23 {offsets = [0, 128], sizes = [32, 28], strides = [1, 1]} : vector<32x1024xbf16> to vector<32x28xbf16>
      %slice3A_603 = vector.extract_strided_slice %get3A_23 {offsets = [0, 160], sizes = [32, 28], strides = [1, 1]} : vector<32x1024xbf16> to vector<32x28xbf16>
      %slice3A_604 = vector.extract_strided_slice %get3A_23 {offsets = [0, 192], sizes = [32, 28], strides = [1, 1]} : vector<32x1024xbf16> to vector<32x28xbf16>
      %slice3A_605 = vector.extract_strided_slice %get3A_23 {offsets = [0, 224], sizes = [32, 28], strides = [1, 1]} : vector<32x1024xbf16> to vector<32x28xbf16>
      %slice3A_606 = vector.extract_strided_slice %get3A_23 {offsets = [0, 256], sizes = [32, 28], strides = [1, 1]} : vector<32x1024xbf16> to vector<32x28xbf16>
      %slice3A_607 = vector.extract_strided_slice %get3A_23 {offsets = [0, 288], sizes = [32, 28], strides = [1, 1]} : vector<32x1024xbf16> to vector<32x28xbf16>
      %slice3A_608 = vector.extract_strided_slice %get3A_23 {offsets = [0, 320], sizes = [32, 28], strides = [1, 1]} : vector<32x1024xbf16> to vector<32x28xbf16>
      %slice3A_609 = vector.extract_strided_slice %get3A_23 {offsets = [0, 352], sizes = [32, 28], strides = [1, 1]} : vector<32x1024xbf16> to vector<32x28xbf16>
      %slice3A_610 = vector.extract_strided_slice %get3A_23 {offsets = [0, 384], sizes = [32, 28], strides = [1, 1]} : vector<32x1024xbf16> to vector<32x28xbf16>
      %slice3A_611 = vector.extract_strided_slice %get3A_23 {offsets = [0, 416], sizes = [32, 28], strides = [1, 1]} : vector<32x1024xbf16> to vector<32x28xbf16>
      %slice3A_612 = vector.extract_strided_slice %get3A_23 {offsets = [0, 448], sizes = [32, 28], strides = [1, 1]} : vector<32x1024xbf16> to vector<32x28xbf16>
      %slice3A_613 = vector.extract_strided_slice %get3A_23 {offsets = [0, 480], sizes = [32, 28], strides = [1, 1]} : vector<32x1024xbf16> to vector<32x28xbf16>
      %slice3A_614 = vector.extract_strided_slice %get3A_23 {offsets = [0, 512], sizes = [32, 28], strides = [1, 1]} : vector<32x1024xbf16> to vector<32x28xbf16>
      %slice3A_615 = vector.extract_strided_slice %get3A_23 {offsets = [0, 544], sizes = [32, 28], strides = [1, 1]} : vector<32x1024xbf16> to vector<32x28xbf16>
      %slice3A_616 = vector.extract_strided_slice %get3A_23 {offsets = [0, 576], sizes = [32, 28], strides = [1, 1]} : vector<32x1024xbf16> to vector<32x28xbf16>
      %slice3A_617 = vector.extract_strided_slice %get3A_23 {offsets = [0, 608], sizes = [32, 28], strides = [1, 1]} : vector<32x1024xbf16> to vector<32x28xbf16>
      %slice3A_618 = vector.extract_strided_slice %get3A_23 {offsets = [0, 640], sizes = [32, 28], strides = [1, 1]} : vector<32x1024xbf16> to vector<32x28xbf16>
      %slice3A_619 = vector.extract_strided_slice %get3A_23 {offsets = [0, 672], sizes = [32, 28], strides = [1, 1]} : vector<32x1024xbf16> to vector<32x28xbf16>
      %slice3A_620 = vector.extract_strided_slice %get3A_23 {offsets = [0, 704], sizes = [32, 28], strides = [1, 1]} : vector<32x1024xbf16> to vector<32x28xbf16>
      %slice3A_621 = vector.extract_strided_slice %get3A_23 {offsets = [0, 736], sizes = [32, 28], strides = [1, 1]} : vector<32x1024xbf16> to vector<32x28xbf16>
      %slice3A_622 = vector.extract_strided_slice %get3A_23 {offsets = [0, 768], sizes = [32, 28], strides = [1, 1]} : vector<32x1024xbf16> to vector<32x28xbf16>
      %slice3A_623 = vector.extract_strided_slice %get3A_23 {offsets = [0, 800], sizes = [32, 28], strides = [1, 1]} : vector<32x1024xbf16> to vector<32x28xbf16>
      %slice3A_624 = vector.extract_strided_slice %get3A_23 {offsets = [0, 832], sizes = [32, 28], strides = [1, 1]} : vector<32x1024xbf16> to vector<32x28xbf16>
      %slice3A_625 = vector.extract_strided_slice %get3A_23 {offsets = [0, 864], sizes = [32, 28], strides = [1, 1]} : vector<32x1024xbf16> to vector<32x28xbf16>
      %slice3A_626 = vector.extract_strided_slice %get3A_23 {offsets = [0, 896], sizes = [32, 28], strides = [1, 1]} : vector<32x1024xbf16> to vector<32x28xbf16>
      %slice3A_627 = vector.extract_strided_slice %get3A_23 {offsets = [0, 928], sizes = [32, 28], strides = [1, 1]} : vector<32x1024xbf16> to vector<32x28xbf16>
      %slice3A_628 = vector.extract_strided_slice %get3A_23 {offsets = [0, 960], sizes = [32, 28], strides = [1, 1]} : vector<32x1024xbf16> to vector<32x28xbf16>
      %slice3A_629 = vector.extract_strided_slice %get3A_23 {offsets = [0, 992], sizes = [32, 28], strides = [1, 1]} : vector<32x1024xbf16> to vector<32x28xbf16>
      %concatenate3A_630 = tpu.concatenate %slice3A_602, %slice3A_603, %slice3A_604, %slice3A_605, %slice3A_606, %slice3A_607, %slice3A_608, %slice3A_609, %slice3A_610, %slice3A_611, %slice3A_612, %slice3A_613, %slice3A_614, %slice3A_615, %slice3A_616, %slice3A_617, %slice3A_618, %slice3A_619, %slice3A_620, %slice3A_621, %slice3A_622, %slice3A_623, %slice3A_624, %slice3A_625, %slice3A_626, %slice3A_627, %slice3A_628, %slice3A_629 in 1 : vector<32x28xbf16>, vector<32x28xbf16>, vector<32x28xbf16>, vector<32x28xbf16>, vector<32x28xbf16>, vector<32x28xbf16>, vector<32x28xbf16>, vector<32x28xbf16>, vector<32x28xbf16>, vector<32x28xbf16>, vector<32x28xbf16>, vector<32x28xbf16>, vector<32x28xbf16>, vector<32x28xbf16>, vector<32x28xbf16>, vector<32x28xbf16>, vector<32x28xbf16>, vector<32x28xbf16>, vector<32x28xbf16>, vector<32x28xbf16>, vector<32x28xbf16>, vector<32x28xbf16>, vector<32x28xbf16>, vector<32x28xbf16>, vector<32x28xbf16>, vector<32x28xbf16>, vector<32x28xbf16>, vector<32x28xbf16> -> vector<32x784xbf16>
      %slice3A_631 = vector.extract_strided_slice %get3A_23 {offsets = [0, 129], sizes = [32, 28], strides = [1, 1]} : vector<32x1024xbf16> to vector<32x28xbf16>
      %slice3A_632 = vector.extract_strided_slice %get3A_23 {offsets = [0, 161], sizes = [32, 28], strides = [1, 1]} : vector<32x1024xbf16> to vector<32x28xbf16>
      %slice3A_633 = vector.extract_strided_slice %get3A_23 {offsets = [0, 193], sizes = [32, 28], strides = [1, 1]} : vector<32x1024xbf16> to vector<32x28xbf16>
      %slice3A_634 = vector.extract_strided_slice %get3A_23 {offsets = [0, 225], sizes = [32, 28], strides = [1, 1]} : vector<32x1024xbf16> to vector<32x28xbf16>
      %slice3A_635 = vector.extract_strided_slice %get3A_23 {offsets = [0, 257], sizes = [32, 28], strides = [1, 1]} : vector<32x1024xbf16> to vector<32x28xbf16>
      %slice3A_636 = vector.extract_strided_slice %get3A_23 {offsets = [0, 289], sizes = [32, 28], strides = [1, 1]} : vector<32x1024xbf16> to vector<32x28xbf16>
      %slice3A_637 = vector.extract_strided_slice %get3A_23 {offsets = [0, 321], sizes = [32, 28], strides = [1, 1]} : vector<32x1024xbf16> to vector<32x28xbf16>
      %slice3A_638 = vector.extract_strided_slice %get3A_23 {offsets = [0, 353], sizes = [32, 28], strides = [1, 1]} : vector<32x1024xbf16> to vector<32x28xbf16>
      %slice3A_639 = vector.extract_strided_slice %get3A_23 {offsets = [0, 385], sizes = [32, 28], strides = [1, 1]} : vector<32x1024xbf16> to vector<32x28xbf16>
      %slice3A_640 = vector.extract_strided_slice %get3A_23 {offsets = [0, 417], sizes = [32, 28], strides = [1, 1]} : vector<32x1024xbf16> to vector<32x28xbf16>
      %slice3A_641 = vector.extract_strided_slice %get3A_23 {offsets = [0, 449], sizes = [32, 28], strides = [1, 1]} : vector<32x1024xbf16> to vector<32x28xbf16>
      %slice3A_642 = vector.extract_strided_slice %get3A_23 {offsets = [0, 481], sizes = [32, 28], strides = [1, 1]} : vector<32x1024xbf16> to vector<32x28xbf16>
      %slice3A_643 = vector.extract_strided_slice %get3A_23 {offsets = [0, 513], sizes = [32, 28], strides = [1, 1]} : vector<32x1024xbf16> to vector<32x28xbf16>
      %slice3A_644 = vector.extract_strided_slice %get3A_23 {offsets = [0, 545], sizes = [32, 28], strides = [1, 1]} : vector<32x1024xbf16> to vector<32x28xbf16>
      %slice3A_645 = vector.extract_strided_slice %get3A_23 {offsets = [0, 577], sizes = [32, 28], strides = [1, 1]} : vector<32x1024xbf16> to vector<32x28xbf16>
      %slice3A_646 = vector.extract_strided_slice %get3A_23 {offsets = [0, 609], sizes = [32, 28], strides = [1, 1]} : vector<32x1024xbf16> to vector<32x28xbf16>
      %slice3A_647 = vector.extract_strided_slice %get3A_23 {offsets = [0, 641], sizes = [32, 28], strides = [1, 1]} : vector<32x1024xbf16> to vector<32x28xbf16>
      %slice3A_648 = vector.extract_strided_slice %get3A_23 {offsets = [0, 673], sizes = [32, 28], strides = [1, 1]} : vector<32x1024xbf16> to vector<32x28xbf16>
      %slice3A_649 = vector.extract_strided_slice %get3A_23 {offsets = [0, 705], sizes = [32, 28], strides = [1, 1]} : vector<32x1024xbf16> to vector<32x28xbf16>
      %slice3A_650 = vector.extract_strided_slice %get3A_23 {offsets = [0, 737], sizes = [32, 28], strides = [1, 1]} : vector<32x1024xbf16> to vector<32x28xbf16>
      %slice3A_651 = vector.extract_strided_slice %get3A_23 {offsets = [0, 769], sizes = [32, 28], strides = [1, 1]} : vector<32x1024xbf16> to vector<32x28xbf16>
      %slice3A_652 = vector.extract_strided_slice %get3A_23 {offsets = [0, 801], sizes = [32, 28], strides = [1, 1]} : vector<32x1024xbf16> to vector<32x28xbf16>
      %slice3A_653 = vector.extract_strided_slice %get3A_23 {offsets = [0, 833], sizes = [32, 28], strides = [1, 1]} : vector<32x1024xbf16> to vector<32x28xbf16>
      %slice3A_654 = vector.extract_strided_slice %get3A_23 {offsets = [0, 865], sizes = [32, 28], strides = [1, 1]} : vector<32x1024xbf16> to vector<32x28xbf16>
      %slice3A_655 = vector.extract_strided_slice %get3A_23 {offsets = [0, 897], sizes = [32, 28], strides = [1, 1]} : vector<32x1024xbf16> to vector<32x28xbf16>
      %slice3A_656 = vector.extract_strided_slice %get3A_23 {offsets = [0, 929], sizes = [32, 28], strides = [1, 1]} : vector<32x1024xbf16> to vector<32x28xbf16>
      %slice3A_657 = vector.extract_strided_slice %get3A_23 {offsets = [0, 961], sizes = [32, 28], strides = [1, 1]} : vector<32x1024xbf16> to vector<32x28xbf16>
      %slice3A_658 = vector.extract_strided_slice %get3A_23 {offsets = [0, 993], sizes = [32, 28], strides = [1, 1]} : vector<32x1024xbf16> to vector<32x28xbf16>
      %concatenate3A_659 = tpu.concatenate %slice3A_631, %slice3A_632, %slice3A_633, %slice3A_634, %slice3A_635, %slice3A_636, %slice3A_637, %slice3A_638, %slice3A_639, %slice3A_640, %slice3A_641, %slice3A_642, %slice3A_643, %slice3A_644, %slice3A_645, %slice3A_646, %slice3A_647, %slice3A_648, %slice3A_649, %slice3A_650, %slice3A_651, %slice3A_652, %slice3A_653, %slice3A_654, %slice3A_655, %slice3A_656, %slice3A_657, %slice3A_658 in 1 : vector<32x28xbf16>, vector<32x28xbf16>, vector<32x28xbf16>, vector<32x28xbf16>, vector<32x28xbf16>, vector<32x28xbf16>, vector<32x28xbf16>, vector<32x28xbf16>, vector<32x28xbf16>, vector<32x28xbf16>, vector<32x28xbf16>, vector<32x28xbf16>, vector<32x28xbf16>, vector<32x28xbf16>, vector<32x28xbf16>, vector<32x28xbf16>, vector<32x28xbf16>, vector<32x28xbf16>, vector<32x28xbf16>, vector<32x28xbf16>, vector<32x28xbf16>, vector<32x28xbf16>, vector<32x28xbf16>, vector<32x28xbf16>, vector<32x28xbf16>, vector<32x28xbf16>, vector<32x28xbf16>, vector<32x28xbf16> -> vector<32x784xbf16>
      %slice3A_660 = vector.extract_strided_slice %get3A_23 {offsets = [0, 130], sizes = [32, 28], strides = [1, 1]} : vector<32x1024xbf16> to vector<32x28xbf16>
      %slice3A_661 = vector.extract_strided_slice %get3A_23 {offsets = [0, 162], sizes = [32, 28], strides = [1, 1]} : vector<32x1024xbf16> to vector<32x28xbf16>
      %slice3A_662 = vector.extract_strided_slice %get3A_23 {offsets = [0, 194], sizes = [32, 28], strides = [1, 1]} : vector<32x1024xbf16> to vector<32x28xbf16>
      %slice3A_663 = vector.extract_strided_slice %get3A_23 {offsets = [0, 226], sizes = [32, 28], strides = [1, 1]} : vector<32x1024xbf16> to vector<32x28xbf16>
      %slice3A_664 = vector.extract_strided_slice %get3A_23 {offsets = [0, 258], sizes = [32, 28], strides = [1, 1]} : vector<32x1024xbf16> to vector<32x28xbf16>
      %slice3A_665 = vector.extract_strided_slice %get3A_23 {offsets = [0, 290], sizes = [32, 28], strides = [1, 1]} : vector<32x1024xbf16> to vector<32x28xbf16>
      %slice3A_666 = vector.extract_strided_slice %get3A_23 {offsets = [0, 322], sizes = [32, 28], strides = [1, 1]} : vector<32x1024xbf16> to vector<32x28xbf16>
      %slice3A_667 = vector.extract_strided_slice %get3A_23 {offsets = [0, 354], sizes = [32, 28], strides = [1, 1]} : vector<32x1024xbf16> to vector<32x28xbf16>
      %slice3A_668 = vector.extract_strided_slice %get3A_23 {offsets = [0, 386], sizes = [32, 28], strides = [1, 1]} : vector<32x1024xbf16> to vector<32x28xbf16>
      %slice3A_669 = vector.extract_strided_slice %get3A_23 {offsets = [0, 418], sizes = [32, 28], strides = [1, 1]} : vector<32x1024xbf16> to vector<32x28xbf16>
      %slice3A_670 = vector.extract_strided_slice %get3A_23 {offsets = [0, 450], sizes = [32, 28], strides = [1, 1]} : vector<32x1024xbf16> to vector<32x28xbf16>
      %slice3A_671 = vector.extract_strided_slice %get3A_23 {offsets = [0, 482], sizes = [32, 28], strides = [1, 1]} : vector<32x1024xbf16> to vector<32x28xbf16>
      %slice3A_672 = vector.extract_strided_slice %get3A_23 {offsets = [0, 514], sizes = [32, 28], strides = [1, 1]} : vector<32x1024xbf16> to vector<32x28xbf16>
      %slice3A_673 = vector.extract_strided_slice %get3A_23 {offsets = [0, 546], sizes = [32, 28], strides = [1, 1]} : vector<32x1024xbf16> to vector<32x28xbf16>
      %slice3A_674 = vector.extract_strided_slice %get3A_23 {offsets = [0, 578], sizes = [32, 28], strides = [1, 1]} : vector<32x1024xbf16> to vector<32x28xbf16>
      %slice3A_675 = vector.extract_strided_slice %get3A_23 {offsets = [0, 610], sizes = [32, 28], strides = [1, 1]} : vector<32x1024xbf16> to vector<32x28xbf16>
      %slice3A_676 = vector.extract_strided_slice %get3A_23 {offsets = [0, 642], sizes = [32, 28], strides = [1, 1]} : vector<32x1024xbf16> to vector<32x28xbf16>
      %slice3A_677 = vector.extract_strided_slice %get3A_23 {offsets = [0, 674], sizes = [32, 28], strides = [1, 1]} : vector<32x1024xbf16> to vector<32x28xbf16>
      %slice3A_678 = vector.extract_strided_slice %get3A_23 {offsets = [0, 706], sizes = [32, 28], strides = [1, 1]} : vector<32x1024xbf16> to vector<32x28xbf16>
      %slice3A_679 = vector.extract_strided_slice %get3A_23 {offsets = [0, 738], sizes = [32, 28], strides = [1, 1]} : vector<32x1024xbf16> to vector<32x28xbf16>
      %slice3A_680 = vector.extract_strided_slice %get3A_23 {offsets = [0, 770], sizes = [32, 28], strides = [1, 1]} : vector<32x1024xbf16> to vector<32x28xbf16>
      %slice3A_681 = vector.extract_strided_slice %get3A_23 {offsets = [0, 802], sizes = [32, 28], strides = [1, 1]} : vector<32x1024xbf16> to vector<32x28xbf16>
      %slice3A_682 = vector.extract_strided_slice %get3A_23 {offsets = [0, 834], sizes = [32, 28], strides = [1, 1]} : vector<32x1024xbf16> to vector<32x28xbf16>
      %slice3A_683 = vector.extract_strided_slice %get3A_23 {offsets = [0, 866], sizes = [32, 28], strides = [1, 1]} : vector<32x1024xbf16> to vector<32x28xbf16>
      %slice3A_684 = vector.extract_strided_slice %get3A_23 {offsets = [0, 898], sizes = [32, 28], strides = [1, 1]} : vector<32x1024xbf16> to vector<32x28xbf16>
      %slice3A_685 = vector.extract_strided_slice %get3A_23 {offsets = [0, 930], sizes = [32, 28], strides = [1, 1]} : vector<32x1024xbf16> to vector<32x28xbf16>
      %slice3A_686 = vector.extract_strided_slice %get3A_23 {offsets = [0, 962], sizes = [32, 28], strides = [1, 1]} : vector<32x1024xbf16> to vector<32x28xbf16>
      %slice3A_687 = vector.extract_strided_slice %get3A_23 {offsets = [0, 994], sizes = [32, 28], strides = [1, 1]} : vector<32x1024xbf16> to vector<32x28xbf16>
      %concatenate3A_688 = tpu.concatenate %slice3A_660, %slice3A_661, %slice3A_662, %slice3A_663, %slice3A_664, %slice3A_665, %slice3A_666, %slice3A_667, %slice3A_668, %slice3A_669, %slice3A_670, %slice3A_671, %slice3A_672, %slice3A_673, %slice3A_674, %slice3A_675, %slice3A_676, %slice3A_677, %slice3A_678, %slice3A_679, %slice3A_680, %slice3A_681, %slice3A_682, %slice3A_683, %slice3A_684, %slice3A_685, %slice3A_686, %slice3A_687 in 1 : vector<32x28xbf16>, vector<32x28xbf16>, vector<32x28xbf16>, vector<32x28xbf16>, vector<32x28xbf16>, vector<32x28xbf16>, vector<32x28xbf16>, vector<32x28xbf16>, vector<32x28xbf16>, vector<32x28xbf16>, vector<32x28xbf16>, vector<32x28xbf16>, vector<32x28xbf16>, vector<32x28xbf16>, vector<32x28xbf16>, vector<32x28xbf16>, vector<32x28xbf16>, vector<32x28xbf16>, vector<32x28xbf16>, vector<32x28xbf16>, vector<32x28xbf16>, vector<32x28xbf16>, vector<32x28xbf16>, vector<32x28xbf16>, vector<32x28xbf16>, vector<32x28xbf16>, vector<32x28xbf16>, vector<32x28xbf16> -> vector<32x784xbf16>
      %slice3A_689 = vector.extract_strided_slice %get3A_23 {offsets = [0, 131], sizes = [32, 28], strides = [1, 1]} : vector<32x1024xbf16> to vector<32x28xbf16>
      %slice3A_690 = vector.extract_strided_slice %get3A_23 {offsets = [0, 163], sizes = [32, 28], strides = [1, 1]} : vector<32x1024xbf16> to vector<32x28xbf16>
      %slice3A_691 = vector.extract_strided_slice %get3A_23 {offsets = [0, 195], sizes = [32, 28], strides = [1, 1]} : vector<32x1024xbf16> to vector<32x28xbf16>
      %slice3A_692 = vector.extract_strided_slice %get3A_23 {offsets = [0, 227], sizes = [32, 28], strides = [1, 1]} : vector<32x1024xbf16> to vector<32x28xbf16>
      %slice3A_693 = vector.extract_strided_slice %get3A_23 {offsets = [0, 259], sizes = [32, 28], strides = [1, 1]} : vector<32x1024xbf16> to vector<32x28xbf16>
      %slice3A_694 = vector.extract_strided_slice %get3A_23 {offsets = [0, 291], sizes = [32, 28], strides = [1, 1]} : vector<32x1024xbf16> to vector<32x28xbf16>
      %slice3A_695 = vector.extract_strided_slice %get3A_23 {offsets = [0, 323], sizes = [32, 28], strides = [1, 1]} : vector<32x1024xbf16> to vector<32x28xbf16>
      %slice3A_696 = vector.extract_strided_slice %get3A_23 {offsets = [0, 355], sizes = [32, 28], strides = [1, 1]} : vector<32x1024xbf16> to vector<32x28xbf16>
      %slice3A_697 = vector.extract_strided_slice %get3A_23 {offsets = [0, 387], sizes = [32, 28], strides = [1, 1]} : vector<32x1024xbf16> to vector<32x28xbf16>
      %slice3A_698 = vector.extract_strided_slice %get3A_23 {offsets = [0, 419], sizes = [32, 28], strides = [1, 1]} : vector<32x1024xbf16> to vector<32x28xbf16>
      %slice3A_699 = vector.extract_strided_slice %get3A_23 {offsets = [0, 451], sizes = [32, 28], strides = [1, 1]} : vector<32x1024xbf16> to vector<32x28xbf16>
      %slice3A_700 = vector.extract_strided_slice %get3A_23 {offsets = [0, 483], sizes = [32, 28], strides = [1, 1]} : vector<32x1024xbf16> to vector<32x28xbf16>
      %slice3A_701 = vector.extract_strided_slice %get3A_23 {offsets = [0, 515], sizes = [32, 28], strides = [1, 1]} : vector<32x1024xbf16> to vector<32x28xbf16>
      %slice3A_702 = vector.extract_strided_slice %get3A_23 {offsets = [0, 547], sizes = [32, 28], strides = [1, 1]} : vector<32x1024xbf16> to vector<32x28xbf16>
      %slice3A_703 = vector.extract_strided_slice %get3A_23 {offsets = [0, 579], sizes = [32, 28], strides = [1, 1]} : vector<32x1024xbf16> to vector<32x28xbf16>
      %slice3A_704 = vector.extract_strided_slice %get3A_23 {offsets = [0, 611], sizes = [32, 28], strides = [1, 1]} : vector<32x1024xbf16> to vector<32x28xbf16>
      %slice3A_705 = vector.extract_strided_slice %get3A_23 {offsets = [0, 643], sizes = [32, 28], strides = [1, 1]} : vector<32x1024xbf16> to vector<32x28xbf16>
      %slice3A_706 = vector.extract_strided_slice %get3A_23 {offsets = [0, 675], sizes = [32, 28], strides = [1, 1]} : vector<32x1024xbf16> to vector<32x28xbf16>
      %slice3A_707 = vector.extract_strided_slice %get3A_23 {offsets = [0, 707], sizes = [32, 28], strides = [1, 1]} : vector<32x1024xbf16> to vector<32x28xbf16>
      %slice3A_708 = vector.extract_strided_slice %get3A_23 {offsets = [0, 739], sizes = [32, 28], strides = [1, 1]} : vector<32x1024xbf16> to vector<32x28xbf16>
      %slice3A_709 = vector.extract_strided_slice %get3A_23 {offsets = [0, 771], sizes = [32, 28], strides = [1, 1]} : vector<32x1024xbf16> to vector<32x28xbf16>
      %slice3A_710 = vector.extract_strided_slice %get3A_23 {offsets = [0, 803], sizes = [32, 28], strides = [1, 1]} : vector<32x1024xbf16> to vector<32x28xbf16>
      %slice3A_711 = vector.extract_strided_slice %get3A_23 {offsets = [0, 835], sizes = [32, 28], strides = [1, 1]} : vector<32x1024xbf16> to vector<32x28xbf16>
      %slice3A_712 = vector.extract_strided_slice %get3A_23 {offsets = [0, 867], sizes = [32, 28], strides = [1, 1]} : vector<32x1024xbf16> to vector<32x28xbf16>
      %slice3A_713 = vector.extract_strided_slice %get3A_23 {offsets = [0, 899], sizes = [32, 28], strides = [1, 1]} : vector<32x1024xbf16> to vector<32x28xbf16>
      %slice3A_714 = vector.extract_strided_slice %get3A_23 {offsets = [0, 931], sizes = [32, 28], strides = [1, 1]} : vector<32x1024xbf16> to vector<32x28xbf16>
      %slice3A_715 = vector.extract_strided_slice %get3A_23 {offsets = [0, 963], sizes = [32, 28], strides = [1, 1]} : vector<32x1024xbf16> to vector<32x28xbf16>
      %slice3A_716 = vector.extract_strided_slice %get3A_23 {offsets = [0, 995], sizes = [32, 28], strides = [1, 1]} : vector<32x1024xbf16> to vector<32x28xbf16>
      %concatenate3A_717 = tpu.concatenate %slice3A_689, %slice3A_690, %slice3A_691, %slice3A_692, %slice3A_693, %slice3A_694, %slice3A_695, %slice3A_696, %slice3A_697, %slice3A_698, %slice3A_699, %slice3A_700, %slice3A_701, %slice3A_702, %slice3A_703, %slice3A_704, %slice3A_705, %slice3A_706, %slice3A_707, %slice3A_708, %slice3A_709, %slice3A_710, %slice3A_711, %slice3A_712, %slice3A_713, %slice3A_714, %slice3A_715, %slice3A_716 in 1 : vector<32x28xbf16>, vector<32x28xbf16>, vector<32x28xbf16>, vector<32x28xbf16>, vector<32x28xbf16>, vector<32x28xbf16>, vector<32x28xbf16>, vector<32x28xbf16>, vector<32x28xbf16>, vector<32x28xbf16>, vector<32x28xbf16>, vector<32x28xbf16>, vector<32x28xbf16>, vector<32x28xbf16>, vector<32x28xbf16>, vector<32x28xbf16>, vector<32x28xbf16>, vector<32x28xbf16>, vector<32x28xbf16>, vector<32x28xbf16>, vector<32x28xbf16>, vector<32x28xbf16>, vector<32x28xbf16>, vector<32x28xbf16>, vector<32x28xbf16>, vector<32x28xbf16>, vector<32x28xbf16>, vector<32x28xbf16> -> vector<32x784xbf16>
      %slice3A_718 = vector.extract_strided_slice %get3A_23 {offsets = [0, 132], sizes = [32, 28], strides = [1, 1]} : vector<32x1024xbf16> to vector<32x28xbf16>
      %slice3A_719 = vector.extract_strided_slice %get3A_23 {offsets = [0, 164], sizes = [32, 28], strides = [1, 1]} : vector<32x1024xbf16> to vector<32x28xbf16>
      %slice3A_720 = vector.extract_strided_slice %get3A_23 {offsets = [0, 196], sizes = [32, 28], strides = [1, 1]} : vector<32x1024xbf16> to vector<32x28xbf16>
      %slice3A_721 = vector.extract_strided_slice %get3A_23 {offsets = [0, 228], sizes = [32, 28], strides = [1, 1]} : vector<32x1024xbf16> to vector<32x28xbf16>
      %slice3A_722 = vector.extract_strided_slice %get3A_23 {offsets = [0, 260], sizes = [32, 28], strides = [1, 1]} : vector<32x1024xbf16> to vector<32x28xbf16>
      %slice3A_723 = vector.extract_strided_slice %get3A_23 {offsets = [0, 292], sizes = [32, 28], strides = [1, 1]} : vector<32x1024xbf16> to vector<32x28xbf16>
      %slice3A_724 = vector.extract_strided_slice %get3A_23 {offsets = [0, 324], sizes = [32, 28], strides = [1, 1]} : vector<32x1024xbf16> to vector<32x28xbf16>
      %slice3A_725 = vector.extract_strided_slice %get3A_23 {offsets = [0, 356], sizes = [32, 28], strides = [1, 1]} : vector<32x1024xbf16> to vector<32x28xbf16>
      %slice3A_726 = vector.extract_strided_slice %get3A_23 {offsets = [0, 388], sizes = [32, 28], strides = [1, 1]} : vector<32x1024xbf16> to vector<32x28xbf16>
      %slice3A_727 = vector.extract_strided_slice %get3A_23 {offsets = [0, 420], sizes = [32, 28], strides = [1, 1]} : vector<32x1024xbf16> to vector<32x28xbf16>
      %slice3A_728 = vector.extract_strided_slice %get3A_23 {offsets = [0, 452], sizes = [32, 28], strides = [1, 1]} : vector<32x1024xbf16> to vector<32x28xbf16>
      %slice3A_729 = vector.extract_strided_slice %get3A_23 {offsets = [0, 484], sizes = [32, 28], strides = [1, 1]} : vector<32x1024xbf16> to vector<32x28xbf16>
      %slice3A_730 = vector.extract_strided_slice %get3A_23 {offsets = [0, 516], sizes = [32, 28], strides = [1, 1]} : vector<32x1024xbf16> to vector<32x28xbf16>
      %slice3A_731 = vector.extract_strided_slice %get3A_23 {offsets = [0, 548], sizes = [32, 28], strides = [1, 1]} : vector<32x1024xbf16> to vector<32x28xbf16>
      %slice3A_732 = vector.extract_strided_slice %get3A_23 {offsets = [0, 580], sizes = [32, 28], strides = [1, 1]} : vector<32x1024xbf16> to vector<32x28xbf16>
      %slice3A_733 = vector.extract_strided_slice %get3A_23 {offsets = [0, 612], sizes = [32, 28], strides = [1, 1]} : vector<32x1024xbf16> to vector<32x28xbf16>
      %slice3A_734 = vector.extract_strided_slice %get3A_23 {offsets = [0, 644], sizes = [32, 28], strides = [1, 1]} : vector<32x1024xbf16> to vector<32x28xbf16>
      %slice3A_735 = vector.extract_strided_slice %get3A_23 {offsets = [0, 676], sizes = [32, 28], strides = [1, 1]} : vector<32x1024xbf16> to vector<32x28xbf16>
      %slice3A_736 = vector.extract_strided_slice %get3A_23 {offsets = [0, 708], sizes = [32, 28], strides = [1, 1]} : vector<32x1024xbf16> to vector<32x28xbf16>
      %slice3A_737 = vector.extract_strided_slice %get3A_23 {offsets = [0, 740], sizes = [32, 28], strides = [1, 1]} : vector<32x1024xbf16> to vector<32x28xbf16>
      %slice3A_738 = vector.extract_strided_slice %get3A_23 {offsets = [0, 772], sizes = [32, 28], strides = [1, 1]} : vector<32x1024xbf16> to vector<32x28xbf16>
      %slice3A_739 = vector.extract_strided_slice %get3A_23 {offsets = [0, 804], sizes = [32, 28], strides = [1, 1]} : vector<32x1024xbf16> to vector<32x28xbf16>
      %slice3A_740 = vector.extract_strided_slice %get3A_23 {offsets = [0, 836], sizes = [32, 28], strides = [1, 1]} : vector<32x1024xbf16> to vector<32x28xbf16>
      %slice3A_741 = vector.extract_strided_slice %get3A_23 {offsets = [0, 868], sizes = [32, 28], strides = [1, 1]} : vector<32x1024xbf16> to vector<32x28xbf16>
      %slice3A_742 = vector.extract_strided_slice %get3A_23 {offsets = [0, 900], sizes = [32, 28], strides = [1, 1]} : vector<32x1024xbf16> to vector<32x28xbf16>
      %slice3A_743 = vector.extract_strided_slice %get3A_23 {offsets = [0, 932], sizes = [32, 28], strides = [1, 1]} : vector<32x1024xbf16> to vector<32x28xbf16>
      %slice3A_744 = vector.extract_strided_slice %get3A_23 {offsets = [0, 964], sizes = [32, 28], strides = [1, 1]} : vector<32x1024xbf16> to vector<32x28xbf16>
      %slice3A_745 = vector.extract_strided_slice %get3A_23 {offsets = [0, 996], sizes = [32, 28], strides = [1, 1]} : vector<32x1024xbf16> to vector<32x28xbf16>
      %concatenate3A_746 = tpu.concatenate %slice3A_718, %slice3A_719, %slice3A_720, %slice3A_721, %slice3A_722, %slice3A_723, %slice3A_724, %slice3A_725, %slice3A_726, %slice3A_727, %slice3A_728, %slice3A_729, %slice3A_730, %slice3A_731, %slice3A_732, %slice3A_733, %slice3A_734, %slice3A_735, %slice3A_736, %slice3A_737, %slice3A_738, %slice3A_739, %slice3A_740, %slice3A_741, %slice3A_742, %slice3A_743, %slice3A_744, %slice3A_745 in 1 : vector<32x28xbf16>, vector<32x28xbf16>, vector<32x28xbf16>, vector<32x28xbf16>, vector<32x28xbf16>, vector<32x28xbf16>, vector<32x28xbf16>, vector<32x28xbf16>, vector<32x28xbf16>, vector<32x28xbf16>, vector<32x28xbf16>, vector<32x28xbf16>, vector<32x28xbf16>, vector<32x28xbf16>, vector<32x28xbf16>, vector<32x28xbf16>, vector<32x28xbf16>, vector<32x28xbf16>, vector<32x28xbf16>, vector<32x28xbf16>, vector<32x28xbf16>, vector<32x28xbf16>, vector<32x28xbf16>, vector<32x28xbf16>, vector<32x28xbf16>, vector<32x28xbf16>, vector<32x28xbf16>, vector<32x28xbf16> -> vector<32x784xbf16>
      %get3A_747 = arith.constant 0 : index
      %get3A_748 = arith.constant 0 : index
      %get3A_749 = vector.load %arg3[%get3A_747, %get3A_748] : memref<960x288xbf16, #tpu.memory_space<vmem>>, vector<960x288xbf16>
      %concatenate3A_750 = tpu.concatenate %concatenate3A, %concatenate3A_79, %concatenate3A_108, %concatenate3A_195, %concatenate3A_224, %concatenate3A_253, %concatenate3A_340, %concatenate3A_369, %concatenate3A_398 in 0 : vector<32x784xbf16>, vector<32x784xbf16>, vector<32x784xbf16>, vector<32x784xbf16>, vector<32x784xbf16>, vector<32x784xbf16>, vector<32x784xbf16>, vector<32x784xbf16>, vector<32x784xbf16> -> vector<288x784xbf16>
      %dot_general3A_751 = arith.constant dense<0.000000e+00> : vector<960x784xf32>
      %dot_general3A_752 = tpu.matmul %get3A_749, %concatenate3A_750, %dot_general3A_751 {dimension_numbers = #tpu.dot_dimension_numbers<[1], [0], [0], [1], [0, 0, 1, 1], [], []>, transpose_lhs_hint = false} : vector<960x288xbf16>, vector<288x784xbf16>, vector<960x784xf32> -> vector<960x784xf32>
      %max3A_753 = arith.constant 0.000000e+00 : f32
      %max3A_754 = vector.broadcast %max3A_753 : f32 to vector<960x784xf32>
      %max3A_755 = arith.maximumf %dot_general3A_752, %max3A_754 : vector<960x784xf32>
      %convert_element_type3A_756 = arith.truncf %max3A_755 : vector<960x784xf32> to vector<960x784xbf16>
      %reshape3A_757 = vector.shape_cast %convert_element_type3A_756 : vector<960x784xbf16> to vector<30x32x784xbf16>
      %swap3A_758 = arith.constant 0 : index
      %swap3A_759 = arith.constant 0 : index
      %swap3A_760 = arith.constant 0 : index
      %swap3A_761 = vector.load %arg6[%swap3A_758, %swap3A_759, %swap3A_760] : memref<30x288x784xbf16, #tpu.memory_space<vmem>>, vector<30x32x784xbf16>
      tpu.vector_store %arg6[%swap3A_758, %swap3A_759, %swap3A_760], %reshape3A_757 {strides = array<i32>} : memref<30x288x784xbf16, #tpu.memory_space<vmem>>, vector<30x32x784xbf16>,
      %concatenate3A_762 = tpu.concatenate %concatenate3A_79, %concatenate3A_108, %concatenate3A_137, %concatenate3A_224, %concatenate3A_253, %concatenate3A_282, %concatenate3A_369, %concatenate3A_398, %concatenate3A_427 in 0 : vector<32x784xbf16>, vector<32x784xbf16>, vector<32x784xbf16>, vector<32x784xbf16>, vector<32x784xbf16>, vector<32x784xbf16>, vector<32x784xbf16>, vector<32x784xbf16>, vector<32x784xbf16> -> vector<288x784xbf16>
      %dot_general3A_763 = arith.constant dense<0.000000e+00> : vector<960x784xf32>
      %dot_general3A_764 = tpu.matmul %get3A_749, %concatenate3A_762, %dot_general3A_763 {dimension_numbers = #tpu.dot_dimension_numbers<[1], [0], [0], [1], [0, 0, 1, 1], [], []>, transpose_lhs_hint = false} : vector<960x288xbf16>, vector<288x784xbf16>, vector<960x784xf32> -> vector<960x784xf32>
      %max3A_765 = arith.constant 0.000000e+00 : f32
      %max3A_766 = vector.broadcast %max3A_765 : f32 to vector<960x784xf32>
      %max3A_767 = arith.maximumf %dot_general3A_764, %max3A_766 : vector<960x784xf32>
      %convert_element_type3A_768 = arith.truncf %max3A_767 : vector<960x784xf32> to vector<960x784xbf16>
      %reshape3A_769 = vector.shape_cast %convert_element_type3A_768 : vector<960x784xbf16> to vector<30x32x784xbf16>
      %swap3A_770 = arith.constant 0 : index
      %swap3A_771 = arith.constant 32 : index
      %swap3A_772 = arith.constant 0 : index
      %swap3A_773 = vector.load %arg6[%swap3A_770, %swap3A_771, %swap3A_772] : memref<30x288x784xbf16, #tpu.memory_space<vmem>>, vector<30x32x784xbf16>
      tpu.vector_store %arg6[%swap3A_770, %swap3A_771, %swap3A_772], %reshape3A_769 {strides = array<i32>} : memref<30x288x784xbf16, #tpu.memory_space<vmem>>, vector<30x32x784xbf16>,
      %concatenate3A_774 = tpu.concatenate %concatenate3A_108, %concatenate3A_137, %concatenate3A_166, %concatenate3A_253, %concatenate3A_282, %concatenate3A_311, %concatenate3A_398, %concatenate3A_427, %concatenate3A_456 in 0 : vector<32x784xbf16>, vector<32x784xbf16>, vector<32x784xbf16>, vector<32x784xbf16>, vector<32x784xbf16>, vector<32x784xbf16>, vector<32x784xbf16>, vector<32x784xbf16>, vector<32x784xbf16> -> vector<288x784xbf16>
      %dot_general3A_775 = arith.constant dense<0.000000e+00> : vector<960x784xf32>
      %dot_general3A_776 = tpu.matmul %get3A_749, %concatenate3A_774, %dot_general3A_775 {dimension_numbers = #tpu.dot_dimension_numbers<[1], [0], [0], [1], [0, 0, 1, 1], [], []>, transpose_lhs_hint = false} : vector<960x288xbf16>, vector<288x784xbf16>, vector<960x784xf32> -> vector<960x784xf32>
      %max3A_777 = arith.constant 0.000000e+00 : f32
      %max3A_778 = vector.broadcast %max3A_777 : f32 to vector<960x784xf32>
      %max3A_779 = arith.maximumf %dot_general3A_776, %max3A_778 : vector<960x784xf32>
      %convert_element_type3A_780 = arith.truncf %max3A_779 : vector<960x784xf32> to vector<960x784xbf16>
      %reshape3A_781 = vector.shape_cast %convert_element_type3A_780 : vector<960x784xbf16> to vector<30x32x784xbf16>
      %swap3A_782 = arith.constant 0 : index
      %swap3A_783 = arith.constant 64 : index
      %swap3A_784 = arith.constant 0 : index
      %swap3A_785 = vector.load %arg6[%swap3A_782, %swap3A_783, %swap3A_784] : memref<30x288x784xbf16, #tpu.memory_space<vmem>>, vector<30x32x784xbf16>
      tpu.vector_store %arg6[%swap3A_782, %swap3A_783, %swap3A_784], %reshape3A_781 {strides = array<i32>} : memref<30x288x784xbf16, #tpu.memory_space<vmem>>, vector<30x32x784xbf16>,
      %concatenate3A_786 = tpu.concatenate %concatenate3A_195, %concatenate3A_224, %concatenate3A_253, %concatenate3A_340, %concatenate3A_369, %concatenate3A_398, %concatenate3A_485, %concatenate3A_514, %concatenate3A_543 in 0 : vector<32x784xbf16>, vector<32x784xbf16>, vector<32x784xbf16>, vector<32x784xbf16>, vector<32x784xbf16>, vector<32x784xbf16>, vector<32x784xbf16>, vector<32x784xbf16>, vector<32x784xbf16> -> vector<288x784xbf16>
      %dot_general3A_787 = arith.constant dense<0.000000e+00> : vector<960x784xf32>
      %dot_general3A_788 = tpu.matmul %get3A_749, %concatenate3A_786, %dot_general3A_787 {dimension_numbers = #tpu.dot_dimension_numbers<[1], [0], [0], [1], [0, 0, 1, 1], [], []>, transpose_lhs_hint = false} : vector<960x288xbf16>, vector<288x784xbf16>, vector<960x784xf32> -> vector<960x784xf32>
      %max3A_789 = arith.constant 0.000000e+00 : f32
      %max3A_790 = vector.broadcast %max3A_789 : f32 to vector<960x784xf32>
      %max3A_791 = arith.maximumf %dot_general3A_788, %max3A_790 : vector<960x784xf32>
      %convert_element_type3A_792 = arith.truncf %max3A_791 : vector<960x784xf32> to vector<960x784xbf16>
      %reshape3A_793 = vector.shape_cast %convert_element_type3A_792 : vector<960x784xbf16> to vector<30x32x784xbf16>
      %swap3A_794 = arith.constant 0 : index
      %swap3A_795 = arith.constant 96 : index
      %swap3A_796 = arith.constant 0 : index
      %swap3A_797 = vector.load %arg6[%swap3A_794, %swap3A_795, %swap3A_796] : memref<30x288x784xbf16, #tpu.memory_space<vmem>>, vector<30x32x784xbf16>
      tpu.vector_store %arg6[%swap3A_794, %swap3A_795, %swap3A_796], %reshape3A_793 {strides = array<i32>} : memref<30x288x784xbf16, #tpu.memory_space<vmem>>, vector<30x32x784xbf16>,
      %concatenate3A_798 = tpu.concatenate %concatenate3A_224, %concatenate3A_253, %concatenate3A_282, %concatenate3A_369, %concatenate3A_398, %concatenate3A_427, %concatenate3A_514, %concatenate3A_543, %concatenate3A_572 in 0 : vector<32x784xbf16>, vector<32x784xbf16>, vector<32x784xbf16>, vector<32x784xbf16>, vector<32x784xbf16>, vector<32x784xbf16>, vector<32x784xbf16>, vector<32x784xbf16>, vector<32x784xbf16> -> vector<288x784xbf16>
      %dot_general3A_799 = arith.constant dense<0.000000e+00> : vector<960x784xf32>
      %dot_general3A_800 = tpu.matmul %get3A_749, %concatenate3A_798, %dot_general3A_799 {dimension_numbers = #tpu.dot_dimension_numbers<[1], [0], [0], [1], [0, 0, 1, 1], [], []>, transpose_lhs_hint = false} : vector<960x288xbf16>, vector<288x784xbf16>, vector<960x784xf32> -> vector<960x784xf32>
      %max3A_801 = arith.constant 0.000000e+00 : f32
      %max3A_802 = vector.broadcast %max3A_801 : f32 to vector<960x784xf32>
      %max3A_803 = arith.maximumf %dot_general3A_800, %max3A_802 : vector<960x784xf32>
      %convert_element_type3A_804 = arith.truncf %max3A_803 : vector<960x784xf32> to vector<960x784xbf16>
      %reshape3A_805 = vector.shape_cast %convert_element_type3A_804 : vector<960x784xbf16> to vector<30x32x784xbf16>
      %swap3A_806 = arith.constant 0 : index
      %swap3A_807 = arith.constant 128 : index
      %swap3A_808 = arith.constant 0 : index
      %swap3A_809 = vector.load %arg6[%swap3A_806, %swap3A_807, %swap3A_808] : memref<30x288x784xbf16, #tpu.memory_space<vmem>>, vector<30x32x784xbf16>
      tpu.vector_store %arg6[%swap3A_806, %swap3A_807, %swap3A_808], %reshape3A_805 {strides = array<i32>} : memref<30x288x784xbf16, #tpu.memory_space<vmem>>, vector<30x32x784xbf16>,
      %concatenate3A_810 = tpu.concatenate %concatenate3A_253, %concatenate3A_282, %concatenate3A_311, %concatenate3A_398, %concatenate3A_427, %concatenate3A_456, %concatenate3A_543, %concatenate3A_572, %concatenate3A_601 in 0 : vector<32x784xbf16>, vector<32x784xbf16>, vector<32x784xbf16>, vector<32x784xbf16>, vector<32x784xbf16>, vector<32x784xbf16>, vector<32x784xbf16>, vector<32x784xbf16>, vector<32x784xbf16> -> vector<288x784xbf16>
      %dot_general3A_811 = arith.constant dense<0.000000e+00> : vector<960x784xf32>
      %dot_general3A_812 = tpu.matmul %get3A_749, %concatenate3A_810, %dot_general3A_811 {dimension_numbers = #tpu.dot_dimension_numbers<[1], [0], [0], [1], [0, 0, 1, 1], [], []>, transpose_lhs_hint = false} : vector<960x288xbf16>, vector<288x784xbf16>, vector<960x784xf32> -> vector<960x784xf32>
      %max3A_813 = arith.constant 0.000000e+00 : f32
      %max3A_814 = vector.broadcast %max3A_813 : f32 to vector<960x784xf32>
      %max3A_815 = arith.maximumf %dot_general3A_812, %max3A_814 : vector<960x784xf32>
      %convert_element_type3A_816 = arith.truncf %max3A_815 : vector<960x784xf32> to vector<960x784xbf16>
      %reshape3A_817 = vector.shape_cast %convert_element_type3A_816 : vector<960x784xbf16> to vector<30x32x784xbf16>
      %swap3A_818 = arith.constant 0 : index
      %swap3A_819 = arith.constant 160 : index
      %swap3A_820 = arith.constant 0 : index
      %swap3A_821 = vector.load %arg6[%swap3A_818, %swap3A_819, %swap3A_820] : memref<30x288x784xbf16, #tpu.memory_space<vmem>>, vector<30x32x784xbf16>
      tpu.vector_store %arg6[%swap3A_818, %swap3A_819, %swap3A_820], %reshape3A_817 {strides = array<i32>} : memref<30x288x784xbf16, #tpu.memory_space<vmem>>, vector<30x32x784xbf16>,
      %concatenate3A_822 = tpu.concatenate %concatenate3A_340, %concatenate3A_369, %concatenate3A_398, %concatenate3A_485, %concatenate3A_514, %concatenate3A_543, %concatenate3A_630, %concatenate3A_659, %concatenate3A_688 in 0 : vector<32x784xbf16>, vector<32x784xbf16>, vector<32x784xbf16>, vector<32x784xbf16>, vector<32x784xbf16>, vector<32x784xbf16>, vector<32x784xbf16>, vector<32x784xbf16>, vector<32x784xbf16> -> vector<288x784xbf16>
      %dot_general3A_823 = arith.constant dense<0.000000e+00> : vector<960x784xf32>
      %dot_general3A_824 = tpu.matmul %get3A_749, %concatenate3A_822, %dot_general3A_823 {dimension_numbers = #tpu.dot_dimension_numbers<[1], [0], [0], [1], [0, 0, 1, 1], [], []>, transpose_lhs_hint = false} : vector<960x288xbf16>, vector<288x784xbf16>, vector<960x784xf32> -> vector<960x784xf32>
      %max3A_825 = arith.constant 0.000000e+00 : f32
      %max3A_826 = vector.broadcast %max3A_825 : f32 to vector<960x784xf32>
      %max3A_827 = arith.maximumf %dot_general3A_824, %max3A_826 : vector<960x784xf32>
      %convert_element_type3A_828 = arith.truncf %max3A_827 : vector<960x784xf32> to vector<960x784xbf16>
      %reshape3A_829 = vector.shape_cast %convert_element_type3A_828 : vector<960x784xbf16> to vector<30x32x784xbf16>
      %swap3A_830 = arith.constant 0 : index
      %swap3A_831 = arith.constant 192 : index
      %swap3A_832 = arith.constant 0 : index
      %swap3A_833 = vector.load %arg6[%swap3A_830, %swap3A_831, %swap3A_832] : memref<30x288x784xbf16, #tpu.memory_space<vmem>>, vector<30x32x784xbf16>
      tpu.vector_store %arg6[%swap3A_830, %swap3A_831, %swap3A_832], %reshape3A_829 {strides = array<i32>} : memref<30x288x784xbf16, #tpu.memory_space<vmem>>, vector<30x32x784xbf16>,
      %concatenate3A_834 = tpu.concatenate %concatenate3A_369, %concatenate3A_398, %concatenate3A_427, %concatenate3A_514, %concatenate3A_543, %concatenate3A_572, %concatenate3A_659, %concatenate3A_688, %concatenate3A_717 in 0 : vector<32x784xbf16>, vector<32x784xbf16>, vector<32x784xbf16>, vector<32x784xbf16>, vector<32x784xbf16>, vector<32x784xbf16>, vector<32x784xbf16>, vector<32x784xbf16>, vector<32x784xbf16> -> vector<288x784xbf16>
      %dot_general3A_835 = arith.constant dense<0.000000e+00> : vector<960x784xf32>
      %dot_general3A_836 = tpu.matmul %get3A_749, %concatenate3A_834, %dot_general3A_835 {dimension_numbers = #tpu.dot_dimension_numbers<[1], [0], [0], [1], [0, 0, 1, 1], [], []>, transpose_lhs_hint = false} : vector<960x288xbf16>, vector<288x784xbf16>, vector<960x784xf32> -> vector<960x784xf32>
      %max3A_837 = arith.constant 0.000000e+00 : f32
      %max3A_838 = vector.broadcast %max3A_837 : f32 to vector<960x784xf32>
      %max3A_839 = arith.maximumf %dot_general3A_836, %max3A_838 : vector<960x784xf32>
      %convert_element_type3A_840 = arith.truncf %max3A_839 : vector<960x784xf32> to vector<960x784xbf16>
      %reshape3A_841 = vector.shape_cast %convert_element_type3A_840 : vector<960x784xbf16> to vector<30x32x784xbf16>
      %swap3A_842 = arith.constant 0 : index
      %swap3A_843 = arith.constant 224 : index
      %swap3A_844 = arith.constant 0 : index
      %swap3A_845 = vector.load %arg6[%swap3A_842, %swap3A_843, %swap3A_844] : memref<30x288x784xbf16, #tpu.memory_space<vmem>>, vector<30x32x784xbf16>
      tpu.vector_store %arg6[%swap3A_842, %swap3A_843, %swap3A_844], %reshape3A_841 {strides = array<i32>} : memref<30x288x784xbf16, #tpu.memory_space<vmem>>, vector<30x32x784xbf16>,
      %concatenate3A_846 = tpu.concatenate %concatenate3A_398, %concatenate3A_427, %concatenate3A_456, %concatenate3A_543, %concatenate3A_572, %concatenate3A_601, %concatenate3A_688, %concatenate3A_717, %concatenate3A_746 in 0 : vector<32x784xbf16>, vector<32x784xbf16>, vector<32x784xbf16>, vector<32x784xbf16>, vector<32x784xbf16>, vector<32x784xbf16>, vector<32x784xbf16>, vector<32x784xbf16>, vector<32x784xbf16> -> vector<288x784xbf16>
      %dot_general3A_847 = arith.constant dense<0.000000e+00> : vector<960x784xf32>
      %dot_general3A_848 = tpu.matmul %get3A_749, %concatenate3A_846, %dot_general3A_847 {dimension_numbers = #tpu.dot_dimension_numbers<[1], [0], [0], [1], [0, 0, 1, 1], [], []>, transpose_lhs_hint = false} : vector<960x288xbf16>, vector<288x784xbf16>, vector<960x784xf32> -> vector<960x784xf32>
      %max3A_849 = arith.constant 0.000000e+00 : f32
      %max3A_850 = vector.broadcast %max3A_849 : f32 to vector<960x784xf32>
      %max3A_851 = arith.maximumf %dot_general3A_848, %max3A_850 : vector<960x784xf32>
      %convert_element_type3A_852 = arith.truncf %max3A_851 : vector<960x784xf32> to vector<960x784xbf16>
      %reshape3A_853 = vector.shape_cast %convert_element_type3A_852 : vector<960x784xbf16> to vector<30x32x784xbf16>
      %swap3A_854 = arith.constant 0 : index
      %swap3A_855 = arith.constant 256 : index
      %swap3A_856 = arith.constant 0 : index
      %swap3A_857 = vector.load %arg6[%swap3A_854, %swap3A_855, %swap3A_856] : memref<30x288x784xbf16, #tpu.memory_space<vmem>>, vector<30x32x784xbf16>
      tpu.vector_store %arg6[%swap3A_854, %swap3A_855, %swap3A_856], %reshape3A_853 {strides = array<i32>} : memref<30x288x784xbf16, #tpu.memory_space<vmem>>, vector<30x32x784xbf16>,
    } else {
    }
    %mul3A = arith.constant 4 : i32
    %mul3A_2 = arith.muli %mul3A, %arg1 : i32
    %get3A = arith.index_cast %mul3A_2 : i32 to index
    %get3A_3 = arith.constant 0 : index
    %get3A_4 = arith.constant 0 : index
    %get3A_5 = vector.load %arg6[%get3A, %get3A_3, %get3A_4] : memref<30x288x784xbf16, #tpu.memory_space<vmem>>, vector<6x288x784xbf16>
    %reshape3A = vector.shape_cast %get3A_5 : vector<6x288x784xbf16> to vector<1728x784xbf16>
    %get3A_6 = arith.constant 0 : index
    %get3A_7 = arith.constant 0 : index
    %get3A_8 = vector.load %arg4[%get3A_6, %get3A_7] : memref<256x1728xbf16, #tpu.memory_space<vmem>>, vector<256x1728xbf16>
    %dot_general3A = arith.constant dense<0.000000e+00> : vector<256x784xf32>
    %dot_general3A_9 = tpu.matmul %get3A_8, %reshape3A, %dot_general3A {dimension_numbers = #tpu.dot_dimension_numbers<[1], [0], [0], [1], [0, 0, 1, 1], [], []>, transpose_lhs_hint = false} : vector<256x1728xbf16>, vector<1728x784xbf16>, vector<256x784xf32> -> vector<256x784xf32>
    %max3A = arith.constant 0.000000e+00 : f32
    %max3A_10 = vector.broadcast %max3A : f32 to vector<256x784xf32>
    %max3A_11 = arith.maximumf %dot_general3A_9, %max3A_10 : vector<256x784xf32>
    %reshape3A_12 = vector.shape_cast %max3A_11 : vector<256x784xf32> to vector<4x64x784xf32>
    %swap3A = arith.constant 0 : index
    %swap3A_13 = arith.constant 0 : index
    %swap3A_14 = arith.constant 0 : index
    %swap3A_15 = arith.constant 0 : index
    %swap3A_16 = vector.load %arg5[%swap3A, %swap3A_13, %swap3A_14, %swap3A_15] : memref<1x4x64x784xf32, #tpu.memory_space<vmem>>, vector<1x4x64x784xf32>
    %swap3A_17 = vector.shape_cast %swap3A_16 : vector<1x4x64x784xf32> to vector<4x64x784xf32>
    %swap3A_18 = vector.shape_cast %reshape3A_12 : vector<4x64x784xf32> to vector<1x4x64x784xf32>
    tpu.vector_store %arg5[%swap3A, %swap3A_13, %swap3A_14, %swap3A_15], %swap3A_18 {strides = array<i32>} : memref<1x4x64x784xf32, #tpu.memory_space<vmem>>, vector<1x4x64x784xf32>,
    return
  }
  func.func @transform_0(%arg0: i32, %arg1: i32) -> (i32, i32, i32) {
    %c0_i32 = arith.constant 0 : i32
    %c0_i32_0 = arith.constant 0 : i32
    %c0_i32_1 = arith.constant 0 : i32
    return %arg0, %c0_i32, %c0_i32_0 : i32, i32, i32
  }
  func.func @transform_1(%arg0: i32, %arg1: i32) -> (i32, i32) {
    %c0_i32 = arith.constant 0 : i32
    %c0_i32_0 = arith.constant 0 : i32
    %c0_i32_1 = arith.constant 0 : i32
    return %c0_i32, %c0_i32_0 : i32, i32
  }
  func.func @transform_2(%arg0: i32, %arg1: i32) -> (i32, i32) {
    %c0_i32 = arith.constant 0 : i32
    %c0_i32_0 = arith.constant 0 : i32
    %c0_i32_1 = arith.constant 0 : i32
    return %c0_i32, %c0_i32_0 : i32, i32
  }
  func.func @transform_3(%arg0: i32, %arg1: i32) -> (i32, i32, i32, i32) {
    %c0_i32 = arith.constant 0 : i32
    %c0_i32_0 = arith.constant 0 : i32
    %c0_i32_1 = arith.constant 0 : i32
    return %arg0, %arg1, %c0_i32, %c0_i32_0 : i32, i32, i32, i32
  }
}

</mosaic_0001>

<sc_bundles>
// kernel: sparse-core-data-format-call.cloned.1.call-start
scs
called_computation_lowered:
.L_overlay_start_0:
0x0: {  	s2 =	sld [smem:$0x3FD9]  }
0x1: {  	s3 =	sld [smem:$0x3FFE];
	_ =	sdelay $0x1  }
0x2: {  	s1 =	srdreg.scid  }
0x3: {  	s0 =	sand.u32 $0x1, s1  }
0x4: {  	s18 =	sshll.u32 s0, $0xA;
	s2 =	sadd.s32 s3, s2  }
0x5: {  	s2 =	sadd.s32 s2, s18  }
0x6: {  	[smem:$0x3FC5] =	sst s2  }
0x7: {  	_ = 	snop  }
0x8: {  	s2 =	sld [smem:$0x3FD0];
	(tm) =	ssettm $0x1  }
0x9: {  	s19 =	sld [smem:$0x3FFB];
	_ =	sdelay $0x3  }
0xa: {  	_ =	strace s19  }
0xb: {  	s3 =	sld [smem:$0x3FFC];
	_ =	sdelay $0x3  }
0xc: {  	_ =	strace s3  }
0xd: {  	s3 =	sld [smem:$0x3FFD];
	_ =	sdelay $0x3  }
0xe: {  	_ =	strace s3  }
0xf: {  	_ =	strace $0x8FFFFFFF  }
0x10: {  	s20 =	sld [smem:$0x3FDB];
	_ =	sdelay $0x1  }
0x11: {  	s4 =	simm.s32 $_scs_section_size  }
0x12: {  	s5 =	simm.s32 $_size__tile_overlayer_lowered;
	s6 =	simm.s32 $_tile_overlayer_lowered  }
0x13: {  	s23 =	simm.s32 $0x1BFF;
	s22 =	sshll.u32 s6, $0x1;
	s3 =	sadd.s32 s4, s20  }
0x14: {  	s7 =	simm.s32 $0x0;
	s21 =	sshll.u32 s5, $0x1;
	s5 =	sadd.s32 s22, s3  }
0x15: {  	[timem:s7], [sflag:s23] =	dma.local [hbm:s5], s21  }
0x16: {  	_ =	swait.ge [sflag:s23], s21  }
0x17: {  	s4 =	ssub.s32 $0x0, s21;
	[sflag:s23] =	ssyncset.done $0x0  }
0x18: {  	[sflag:s23] =	ssyncadd.s32 s4;
	_ =	sdelay $0x1  }
0x19: {  	s24 =	simm.s32 $0x1B8B  }
0x1a: {  	_ =	swait.ge [sflag:s24], $0x1  }
0x1b: {  	[sflag:s24] =	ssyncset.done $0x0  }
0x1c: {  	s26 =	simm.s32 $0x1B8E;
	s25 =	sld [smem:$0x3FFE];
	[sflag:s24] =	ssyncadd.s32 $0xFFFFFFFF  }
0x1d: {  	s27 =	simm.s32 $execute0_lowered;
	[smem:$0x3FD2] =	sst s26  }
0x1e: {  	s5 =	sshll.u32 s27, $0x1;
	_ =	strace $0x80000046;
	[dreg:$0x1] =	wrdreg $0xFFFFFFFF  }
0x1f: {  	s28 =	simm.s32 $_size_execute0_lowered;
	s3 =	sadd.s32 s3, s5;
	[dreg:$0x0] =	wrdreg $0x0  }
0x20: {  	s5 =	sshll.u32 s28, $0x1;
	[dreg:$0x2] =	wrdreg s3  }
0x21: {  	[dreg:$0x3] =	wrdreg s5  }
0x22: {  	[dreg:$0x4] =	wrdreg $0xC0  }
0x23: {  	_ =	task [dreg:s7], $0x5FFFF  }
0x24: {  	[dreg:$0x1] =	wrdreg $0xFFFFFFFF  }
0x25: {  	[dreg:$0x0] =	wrdreg $0x60  }
0x26: {  	[dreg:$0x2] =	wrdreg s25  }
0x27: {  	[dreg:$0x3] =	wrdreg s2  }
0x28: {  	[dreg:$0x4] =	wrdreg $0x9  }
0x29: {  	_ =	task.clear_ibuf [dreg:s7], $0x5FFFF;
	_ =	strace $0x90000046  }
0x2a: {  	s29 =	simm.s32 $0x9;
	_ =	strace $0x80000048  }
0x2b: {  	_ =	swait.ge [sflag:s29], $0x1  }
0x2c: {  	[sflag:s29] =	ssyncadd.s32 $0xFFFFFFFF  }
0x2d: {  	_ =	strace $0x90000048  }
0x2e: {  	_ =	sfence  }
0x2f: {  	s30 =	sld [smem:$0x0];
	_ =	sdelay $0x2  }
0x30: {  	s31 =	sshll.u32 s1, $0xD;
	s1 =	sshrl.u32 s1, $0x2  }
0x31: {  	s3 =	sand.u32 $0x4000, s31;
	s1 =	sadd.s32 s1, s30  }
0x32: {  	s0 =	sor.u32 s3, s0;
	s1 =	sshll.u32 s1, $0x11  }
0x33: {  	s0 =	sor.u32 s1, s0  }
0x34: {  	s0 =	sadd.s32 $0x8F2B, s0  }
0x35: {  	[sflag:s0] =	ssyncadd.remote.s32 $0x1  }
0x36: {  	_ =	sfence.sel $0xFFFF  }
0x37: {  	[dreg:$0x0] =	wrdreg $0xFFFFFFFF;
	(pc) =	sbr.abs _section_cstart, $3  }
0x38: {  	[dreg:$0x1] =	wrdreg $0xFFFFFFFF  }
0x39: {  	_ =	task.clear_ibuf [dreg:s7], $0x2FFFF;
	_ =	strace $0x9FFFFFFF  }
0x3a: {  	(tm) =	ssettm $0x7FFFFFFF  }
0x3b: {  	_ =	shalt  }
tec
execute0_lowered:
.L_overlay_start_1:
0x0: {  	(tag) =	ssettag $0x1  }
0x1: {  	s1 =	rddreg [dreg:$0x0]  }
0x2: {  	s2 =	rddreg [dreg:$0x1]  }
0x3: {  	s0 =	rddreg [dreg:$0x2]  }
0x4: {  	s4 =	srdreg.scid;
	_ =	strace $0x80000047;
	s6 =	simm.s32 $0x2  }
0x5: {  	s18 =	simm.s32 $0x0;
	p0 =	por $0x0, $0x0;
	s16 =	simm.s32 $0x0  }
0x6: {  	s19 =	simm.s32 $0x0;
	s17 =	simm.s32 $0x0;
	s7 =	simm.s32 $0x0  }
0x7: {  	s8 =	simm.s32 $0x0;
	s10 =	simm.s32 $0x0;
	s11 =	simm.s32 $0x0  }
.Ltmp0:
0x8: {  	s12 =	simm.s32 $0x0;
	s13 =	simm.s32 $0x0;
	(pc) =	sbr.rel .LBB1_1-.Ltmp0, $4  }
0x9: {  	s14 =	simm.s32 $0x0;
	s3 =	sadd.s32 $0xA00, s1;
	s4 =	sshll.u32 s4, $0x4  }
0xa: {  	s1 =	stileid.u32;
	s5 =	sand.u32 $0x10, s4;
	s4 =	simm.s32 $0x1  }
0xb: {  	s9 =	simm.s32 $0x0;
	s5 =	sor.u32 s1, s5;
	[sflag:s4] =	ssyncpa.u1 $0x0  }
0xc: {  	[sflag:s6] =	ssyncpa.u1 $0x0;
	s6 =	simm.s32 $0x2000;
	s15 =	smov.u32 s5  }
.LBB1_5:
0xd: {  	p1 =	slt.u32 s9, $0x2;
	s20 =	smov.u32 s19  }
0xe: {  	s23 =	smov.u32 s15;
	s9 =	sadd.s32 $0x1, s9;
	p0 =	por !p0, !p0  }
0xf: {  	p2 =	sgt.s32 @!p1 s19, $0x1B;
	s21 =	sshra.s32 @!p1 s19, $0x1F;
	p4 =	sgt.s32 @!p1 s17, $0x3F  }
0x10: {  	p2 =	por !p2, p1;
	s19 =	sand.u32 @!p1 s21, s19;
	s21 =	sshra.s32 @!p1 s18, $0x1F  }
0x11: {  	p4 =	por !p4, p1;
	s20 =	simm.s32 @p2 $0x1B;
	p2 =	sgt.s32 @!p1 s18, $0x290  }
0x12: {  	s19 =	ssub.s32 @!p1 s20, s19;
	p2 =	por !p2, p1;
	s20 =	smov.u32 s18  }
0x13: {  	s18 =	sand.u32 @!p1 s21, s18;
	s21 =	sadd.s32 @!p1 $0xFFFFFFE5, s19;
	s20 =	simm.s32 @p2 $0x290  }
0x14: {  	s19 =	ssub.s32 @!p1 $0x1C, s19;
	p2 =	sgt.s32 @!p1 s21, $0x0;
	s18 =	ssub.s32 @!p1 s20, s18  }
0x15: {  	s21 =	sshra.s32 @!p1 s17, $0x1F;
	p3 =	por !p2, p1;
	s20 =	sadd.s32 @!p1 $0xFFFFFD70, s18  }
0x16: {  	p2 =	sgt.s32 @!p1 s20, $0x7F;
	s20 =	smov.u32 s17;
	s17 =	sand.u32 @!p1 s21, s17  }
0x17: {  	s21 =	sshra.s32 @!p1 s16, $0x1F;
	s20 =	simm.s32 @p4 $0x3F;
	p4 =	sgt.s32 @!p1 s16, $0x40  }
0x18: {  	s17 =	ssub.s32 @!p1 s20, s17;
	p4 =	por !p4, p1;
	s20 =	smov.u32 s16  }
0x19: {  	s16 =	sand.u32 @!p1 s21, s16;
	s21 =	sadd.s32 @!p1 $0xFFFFFFC1, s17;
	s20 =	simm.s32 @p4 $0x40  }
0x1a: {  	s19 =	simm.s32 @!p3 $0x0;
	p3 =	sgt.s32 @!p1 s21, $0x0;
	s16 =	ssub.s32 @!p1 s20, s16  }
0x1b: {  	s17 =	ssub.s32 @!p1 $0x40, s17;
	p3 =	por !p3, p1;
	s20 =	sadd.s32 @!p1 $0xFFFFFFC0, s16  }
0x1c: {  	s21 =	smov.u32 s13;
	s17 =	simm.s32 @!p3 $0x0;
	p3 =	sgt.s32 @!p1 s20, $0x3F  }
0x1d: {  	s16 =	ssub.s32 @!p1 $0x80, s16;
	s20 =	sadd.s32 $0x80, s12;
	p3 =	por !p3, p1  }
0x1e: {  	s17 =	smul.u32 @!p1 s17, s19;
	p4 =	sgt.s32 s20, $0x30F;
	s19 =	sadd.s32 $0x40, s13  }
0x1f: {  	s24 =	simm.s32 @!p1 $0x2;
	s16 =	simm.s32 @!p3 $0x0;
	s21 =	smov.u32 @p4 s19  }
0x20: {  	s16 =	smul.u32 @!p1 s16, s17;
	p3 =	sgt.s32 s21, $0x3F;
	s17 =	simm.s32 $0x1  }
0x21: {  	s18 =	ssub.s32 @!p1 $0x310, s18;
	p2 =	por !p2, p1;
	s17 =	simm.s32 @!p3 $0x0  }
0x22: {  	s18 =	simm.s32 @!p2 $0x0;
	s20 =	simm.s32 @p4 $0x0;
	s22 =	sadd.s32 s17, s14  }
0x23: {  	s19 =	smov.u32 s10;
	s17 =	sadd.s32 $0x20, s15;
	p2 =	sgt.s32 s22, $0x1B  }
0x24: {  	s10 =	smov.u32 s14;
	s21 =	simm.s32 @p3 $0x0;
	s23 =	smov.u32 @p2 s17  }
0x25: {  	s16 =	smul.u32 @!p1 s18, s16;
	s22 =	simm.s32 @p2 $0x0;
	p2 =	sgt.s32 s23, $0x3F  }
0x26: {  	s18 =	smov.u32 s7;
	s23 =	smov.u32 @p2 s5;
	p2 =	sne.s32 s9, $0x18A  }
.Ltmp1:
0x27: {  	s7 =	smov.u32 s12;
	s12 =	smov.u32 s20;
	(pc) =	sbr.rel @!p2 .LBB1_6-.Ltmp1, $4  }
0x28: {  	s16 =	sand.u32 @!p1 $0x3FFFFFFF, s16;
	s17 =	smov.u32 s11;
	s11 =	smov.u32 s15  }
0x29: {  	_ =	swait.ge @!p1 [sflag:s24], s16;
	s25 =	ssub.s32 @!p1 $0x0, s16;
	s16 =	smov.u32 s8  }
0x2a: {  	s8 =	smov.u32 s13;
	s13 =	smov.u32 s21;
	[sflag:s24] =	ssyncset.done @!p1 $0x0  }
0x2b: {  	s14 =	smov.u32 s22;
	[sflag:s24] =	ssyncadd.s32 @!p1 s25;
	s15 =	smov.u32 s23  }
.LBB1_1:
0x2c: {  	p1 =	sgt.u32 s9, $0x187  }
0x2d: {  	s20 =	sshrl.u32 @!p1 s13, $0x3  }
0x2e: {  	s21 =	sshll.u32 @!p1 s12, $0x3;
	s20 =	smul.u32 @!p1 $0x1C00, s20  }
0x2f: {  	s22 =	sshll.u32 @!p1 s13, $0x7;
	s21 =	sand.u32 @!p1 $0xFFFFFC00, s21  }
0x30: {  	s20 =	sadd.s32 @!p1 s20, s21;
	s21 =	sand.u32 @!p1 $0x380, s22  }
0x31: {  	s20 =	sor.u32 @!p1 s21, s20  }
0x32: {  	s21 =	sshrl.u32 @!p1 s20, $0x7  }
0x33: {  	s21 =	smulhi.u32 @!p1 $0x24924925, s21  }
0x34: {  	s25 =	smul.u32 @!p1 $0x31000, s15;
	s22 =	sxor.u32 @!p1 $0xFFFFFFFF, s9  }
0x35: {  	s24 =	sand.u32 @!p1 $0x7F, s12;
	s22 =	sshll.u32 @!p1 s22, $0xD;
	s23 =	smul.u32 @!p1 $0x380, s21  }
0x36: {  	s20 =	sor.u32 @!p1 s24, s20;
	s24 =	smul.u32 @!p1 $0x1C00, s14;
	s21 =	sand.u32 @!p1 $0x3F, s21  }
0x37: {  	s21 =	smul.u32 @!p1 $0x70, s21;
	s20 =	ssub.s32 @!p1 s20, s23;
	s23 =	sadd.s32 @!p1 s3, s25  }
0x38: {  	s22 =	sand.u32 @!p1 $0x2000, s22;
	s23 =	sadd.s32 @!p1 s24, s23;
	s24 =	sand.u32 @!p1 $0x7, s20  }
0x39: {  	s20 =	sshrl.u32 @!p1 s20, $0x3;
	s21 =	sadd.s32 @!p1 s21, s23;
	s23 =	sshll.u32 @!p1 s24, $0x12  }
0x3a: {  	s20 =	sadd.s32 @!p1 s20, s21;
	s21 =	sor.u32 @!p1 $0x400, s23;
	s23 =	simm.s32 @!p1 $0x1C00  }
0x3b: {  	[tilespmem:s22], [sflag:$0x1] =	stream.strided.gather @!p1 [hbm4b:s20+s21], $0x2000, s23, s21, $0x38;
	[tilespmem:$0x8100] =	vst v63  }
0x3c: {  	p1 =	seq.s32 s9, $0x0  }
0x3d: {  	p2 =	seq.s32 @!p1 s9, $0x189  }
0x3e: {  	p1 =	por p1, p2  }
.Ltmp2:
0x3f: {  	_ = 	snop;
	(pc) =	sbr.rel @p1 .LBB1_5-.Ltmp2, $1  }
0x40: {  	_ =	sdelay $0x3  }
0x41: {  	s20 =	simm.s32 $0x1  }
0x42: {  	_ =	swait.ge [sflag:s4], $0x2000;
	s20 =	simm.s32 @!p0 $0x0  }
0x43: {  	[sflag:s4] =	ssyncset.done $0x0;
	s21 =	sshll.u32 s20, $0xD  }
0x44: {  	[sflag:s4] =	ssyncadd.s32 $0xFFFFE000;
	s21 =	sor.u32 $0x40, s21  }
0x45: {  	s20 =	smul.u32 $0x8200, s20;
	v0 =	vld [tilespmem:s21+$0x30]  }
0x46: {  	v1 =	vld [tilespmem:s21+$0xFFFFFFD0]  }
0x47: {  	s20 =	sshrl.u32 s20, $0x2;
	v5 =	vld [tilespmem:s21+$0xFFFFFFE0]  }
0x48: {  	v6 =	vld [tilespmem:s21+$0xFFFFFFF0];
	s23 =	sor.u32 $0x4000, s20  }
0x49: {  	s31 =	sand.u32 $0x1, s9;
	v4 =	vld [tilespmem:s21+$0x0];
	s22 =	sadd.s32 $0x0, s23  }
0x4a: {  	v3 =	vld [tilespmem:s21+$0x10];
	s20 =	smul.u32 $0x8200, s31;
	[tilespmem:s22+$0x1C70 ss:$0x41] =	vst.msk $0xffff, v0  }
0x4b: {  	v2 =	vld [tilespmem:s21+$0x20];
	[tilespmem:s22+$0x410 ss:$0x41] =	vst.msk $0xffff, v1  }
0x4c: {  	s20 =	sshrl.u32 s20, $0x2;
	v1 =	vld [tilespmem:s21+$0xFFFFFFC0];
	[tilespmem:s22+$0x820 ss:$0x41] =	vst.msk $0xffff, v5;
	s21 =	sadd.s32 $0x80, s21  }
0x4d: {  	s24 =	simm.s32 $0x4;
	s25 =	simm.s32 $0x8;
	s20 =	sor.u32 $0x4000, s20;
	[tilespmem:s22+$0xC30 ss:$0x41] =	vst.msk $0xffff, v6;
	v0 =	vld [tilespmem:s21+$0x30]  }
.LBB1_3:
0x4e: {  	p1 =	sne.s32 s25, $0xFC;
	v5 =	vld [tilespmem:s21+$0xFFFFFFD0];
	[tilespmem:s22+$0x1040 ss:$0x41] =	vst.msk $0xffff, v4  }
0x4f: {  	v6 =	vld [tilespmem:s21+$0xFFFFFFE0];
	[tilespmem:s22+$0x1450 ss:$0x41] =	vst.msk $0xffff, v3  }
0x50: {  	s26 =	sshra.s32 s24, $0x2;
	s24 =	smov.u32 s25;
	v7 =	vld [tilespmem:s21+$0xFFFFFFF0];
	[tilespmem:s22+$0x1860 ss:$0x41] =	vst.msk $0xffff, v2  }
.Ltmp3:
0x51: {  	v4 =	vld [tilespmem:s21+$0x0];
	[tilespmem:s22+$0x0 ss:$0x41] =	vst.msk $0xffff, v1;
	s22 =	sadd.s32 s26, s23;
	(pc) =	sbr.rel @p1 .LBB1_3-.Ltmp3, $4  }
0x52: {  	v3 =	vld [tilespmem:s21+$0x10];
	[tilespmem:s22+$0x1C70 ss:$0x41] =	vst.msk $0xffff, v0  }
0x53: {  	[tilespmem:s22+$0x410 ss:$0x41] =	vst.msk $0xffff, v5;
	v2 =	vld [tilespmem:s21+$0x20]  }
0x54: {  	v1 =	vld [tilespmem:s21+$0xFFFFFFC0];
	[tilespmem:s22+$0x820 ss:$0x41] =	vst.msk $0xffff, v6;
	s21 =	sadd.s32 $0x80, s21  }
0x55: {  	s25 =	sadd.s32 $0x4, s25;
	v0 =	vld [tilespmem:s21+$0x30];
	[tilespmem:s22+$0xC30 ss:$0x41] =	vst.msk $0xffff, v7  }
0x56: {  	p1 =	sgt.s32 s10, $0x1B  }
0x57: {  	s25 =	smov.u32 s10;
	s26 =	sshra.s32 s10, $0x1F;
	s24 =	sshra.s32 s24, $0x2  }
0x58: {  	p2 =	sgt.s32 s7, $0x290;
	s27 =	sshra.s32 s7, $0x1F;
	s28 =	smov.u32 s11  }
0x59: {  	s30 =	sshra.s32 s11, $0x1F;
	s25 =	simm.s32 @!p1 $0x1B;
	s26 =	sand.u32 s26, s10  }
0x5a: {  	s29 =	smov.u32 s8;
	s23 =	sadd.s32 s24, s23;
	s25 =	ssub.s32 s25, s26  }
0x5b: {  	s24 =	sshll.u32 s11, $0x7;
	s27 =	sand.u32 s27, s7;
	s26 =	sadd.s32 $0xFFFFFFE5, s25  }
0x5c: {  	s25 =	ssub.s32 $0x1C, s25;
	p1 =	sgt.s32 s26, $0x0;
	s26 =	smov.u32 s7  }
0x5d: {  	s26 =	simm.s32 @!p2 $0x290;
	p2 =	sgt.s32 s11, $0x3F;
	s25 =	simm.s32 @p1 $0x0  }
0x5e: {  	s26 =	ssub.s32 s26, s27;
	s28 =	simm.s32 @!p2 $0x3F;
	s27 =	sand.u32 s30, s11  }
0x5f: {  	p2 =	sgt.s32 s8, $0x40;
	s30 =	sshra.s32 s8, $0x1F;
	s27 =	ssub.s32 s28, s27  }
0x60: {  	s29 =	simm.s32 @!p2 $0x40;
	s31 =	sand.u32 s30, s8;
	s30 =	sshll.u32 s8, $0x3  }
0x61: {  	v5 =	vld [tilespmem:s21+$0xFFFFFFD0];
	[tilespmem:s22+$0x1040 ss:$0x41] =	vst.msk $0xffff, v4;
	s28 =	ssub.s32 s29, s31;
	s31 =	sadd.s32 $0xFFFFFFC1, s27;
	s27 =	ssub.s32 $0x40, s27  }
0x62: {  	v58 =	vld [tilespmem:s21+$0xFFFFFFE0];
	[tilespmem:s22+$0x1450 ss:$0x41] =	vst.msk $0xffff, v3;
	s30 =	sand.u32 $0x1C00, s30;
	p2 =	sgt.s32 s31, $0x0;
	s31 =	sadd.s32 $0xFFFFFFC0, s28  }
0x63: {  	v59 =	vld [tilespmem:s21+$0xFFFFFFF0];
	[tilespmem:s22+$0x1860 ss:$0x41] =	vst.msk $0xffff, v2;
	s29 =	sshrl.u32 s8, $0x3;
	p1 =	sgt.s32 s31, $0x3F;
	s27 =	simm.s32 @p2 $0x0  }
0x64: {  	v60 =	vld [tilespmem:s21+$0x0];
	[tilespmem:s22+$0x0 ss:$0x41] =	vst.msk $0xffff, v1;
	s31 =	sand.u32 $0x1C00, s24;
	s22 =	smul.u32 s27, s25;
	s27 =	ssub.s32 $0x80, s28  }
0x65: {  	v61 =	vld [tilespmem:s21+$0x10];
	[tilespmem:s23+$0x1C70 ss:$0x41] =	vst.msk $0xffff, v0;
	s24 =	sand.u32 $0x380, s24;
	s25 =	sadd.s32 $0xFFFFFD70, s26;
	s27 =	simm.s32 @p1 $0x0  }
0x66: {  	v62 =	vld [tilespmem:s21+$0x20];
	[tilespmem:s23+$0x410 ss:$0x41] =	vst.msk $0xffff, v5;
	s31 =	sadd.s32 s31, s30;
	s28 =	sshll.u32 s7, $0xA;
	s22 =	smul.u32 s27, s22  }
0x67: {  	v63 =	vld [tilespmem:s21+$0xFFFFFFC0];
	[tilespmem:s23+$0x820 ss:$0x41] =	vst.msk $0xffff, v58;
	p2 =	sgt.s32 s25, $0x7F;
	s25 =	ssub.s32 $0x310, s26;
	s27 =	smul.u32 $0xC4000, s10  }
0x68: {  	[tilespmem:s23+$0xC30 ss:$0x41] =	vst.msk $0xffff, v59;
	s30 =	sand.u32 $0x7, s8;
	s26 =	sor.u32 s24, s31;
	s25 =	simm.s32 @p2 $0x0  }
.Ltmp4:
0x69: {  	[tilespmem:s23+$0x1040 ss:$0x41] =	vst.msk $0xffff, v60;
	s21 =	sshrl.u32 s26, $0x3;
	s24 =	sadd.s32 s2, s27;
	(pc) =	sbr.rel .LBB1_5-.Ltmp4, $4  }
0x6a: {  	[tilespmem:s23+$0x1450 ss:$0x41] =	vst.msk $0xffff, v61;
	s26 =	sand.u32 $0xF, s29;
	s22 =	smul.u32 s25, s22;
	s24 =	sadd.s32 s28, s24  }
0x6b: {  	[tilespmem:s23+$0x1860 ss:$0x41] =	vst.msk $0xffff, v62;
	s21 =	sand.u32 $0x3F0, s21;
	s25 =	sshll.u32 s30, $0x12;
	s24 =	sadd.s32 s26, s24  }
0x6c: {  	[tilespmem:s23+$0x0 ss:$0x41] =	vst.msk $0xffff, v63;
	s31 =	sor.u32 $0x40, s25;
	s22 =	sand.u32 $0x3FFFFFFF, s22;
	s21 =	sadd.s32 s21, s24  }
0x6d: {  	[hbm4b:s21+s31] =	stream.strided.scatter [tilespmem:s20], [sflag:$0x2], s22, s6, s31, $0x18;
	[tilespmem:$0x8100] =	vst v63  }
.LBB1_6:
0x6e: {  	_ =	sfence.sel $0x180000  }
0x6f: {  	s2 =	simm.s32 $0x1;
	[bflag:$0x0] =	sbarrier.arrive $0xFFFF  }
0x70: {  	s31 =	simm.s32 $0x2;
	[sflag:s2] =	ssyncpa.u1 $0x1  }
0x71: {  	[sflag:s31] =	ssyncpa.u1 $0x1  }
0x72: {  	p0 =	sne.s32 s1, $0x0;
	_ =	strace $0x90000047  }
0x73: {  	s0 =	sadd.s32 @!p0 $0x100000, s0;
	[bflag:$0x2] =	sbarrier.arrive $0xFFFF  }
0x74: {  	[sflag:s0] =	ssyncadd.tile.s32 @!p0 $0x1;
	_ =	shalt  }
.Lfunc_end1:
_tile_overlayer_lowered:
.L_overlay_start_2:
0x75: {  	(tag) =	ssettag $0x2  }
0x76: {  	s0 =	rddreg [dreg:$0x0];
	s2 =	stileid.u32  }
0x77: {  	s1 =	rddreg [dreg:$0x1];
	p0 =	sne.s32 s2, $0x0  }
0x78: {  	s3 =	rddreg [dreg:$0x2];
	[bflag:$0x3] =	sbarrier.arrive $0xFFFF;
	s2 =	simm.s32 @!p0 $0x1C01  }
0x79: {  	[timem:s3], [sflag:s2] =	dma.local @!p0 [hbm:s0], s1  }
0x7a: {  	s0 =	simm.s32 @!p0 $0x1  }
0x7b: {  	_ =	swait.ge @!p0 [sflag:s0], s1  }
0x7c: {  	s1 =	ssub.s32 @!p0 $0x0, s1;
	[sflag:s0] =	ssyncset.done @!p0 $0x0  }
0x7d: {  	[sflag:s0] =	ssyncadd.s32 @!p0 s1  }
0x7e: {  	[bflag:$0x3] =	sbarrier.arrive $0xFFFF  }
0x7f: {  	_ =	shalt  }

</sc_bundles>
